<compile_context>
chip_gen: v7x
topology: tpu7x:2x2x1
jax: 0.10.2.dev20260603
libtpu: 0.0.44.dev20260713+nightly
codegen_flags: <defaults>
</compile_context>

<pallas_src>
import functools

import jax
import jax.numpy as jnp
from jax import lax
from jax.experimental import pallas as pl
from jax.experimental.pallas import tpu as pltpu
from jax.experimental.pallas import tpu_sc as plsc

N = 32768
D = 1024
NC = 2
NS = 16
NW = NC * NS
CHUNK = N // NW
GROUPS = CHUNK // 16
G = 32
IDX_ROWS = CHUNK // G + 2


def _sc_body(mask_hbm, embeds_hbm, source_hbm, out_hbm,
             mask_v, pos1, src1, pos0, rows, sem):
    wid = lax.axis_index("s") * NC + lax.axis_index("c")
    base = wid * CHUNK
    iota = lax.iota(jnp.int32, 16)
    zero = jnp.zeros((16,), jnp.int32)

    pltpu.sync_copy(mask_hbm, mask_v)

    def psum_body(j, acc):
        return acc + mask_v[pl.ds(j * 16, 16)]
    acc = lax.fori_loop(0, wid * (CHUNK // 16), psum_body, zero)
    prefix = jnp.sum(acc)

    def comp_body(g, carry):
        cnt1, cnt0 = carry
        v = mask_v[pl.ds(base + g * 16, 16)]
        m = v > 0
        c1 = plsc.cumsum(v)
        c0 = plsc.cumsum(1 - v)
        d1 = cnt1 + c1 - 1
        d0 = cnt0 + c0 - 1
        pos = base + g * 16 + iota
        src = prefix + d1
        plsc.store_scatter(pos1, [d1 >> 5, d1 & (G - 1)], pos, mask=m)
        plsc.store_scatter(src1, [d1 >> 5, d1 & (G - 1)], src, mask=m)
        plsc.store_scatter(pos0, [d0 >> 5, d0 & (G - 1)], pos, mask=~m)
        n1 = plsc.all_reduce_population_count(m)
        return cnt1 + n1, cnt0 + (16 - n1)

    cnt1, cnt0 = lax.fori_loop(0, GROUPS, comp_body, (zero, zero))
    k1 = jnp.max(cnt1)
    k0 = jnp.max(cnt0)

    def pad_tail(ref2d, k):
        lrow = jnp.full((16,), (k - 1) >> 5, jnp.int32)
        lcol = jnp.full((16,), (k - 1) & (G - 1), jnp.int32)
        last = plsc.load_gather(ref2d, [lrow, lcol])
        for t in range(G // 16):
            d = k + t * 16 + iota
            plsc.store_scatter(ref2d, [d >> 5, d & (G - 1)], last)

    def run_list(tbl_hbm, gather_idx, scatter_idx, k):
        trips = (k + G - 1) // G
        def piece(j, c):
            pltpu.async_copy(tbl_hbm.at[gather_idx.at[j]], rows, sem).wait()
            pltpu.async_copy(rows, out_hbm.at[scatter_idx.at[j]], sem).wait()
            return c
        lax.fori_loop(0, trips, piece, 0)

    @pl.when(k1 > 0)
    def _():
        pad_tail(pos1, k1)
        pad_tail(src1, k1)
        run_list(source_hbm, src1, pos1, k1)

    @pl.when(k0 > 0)
    def _():
        pad_tail(pos0, k0)
        run_list(embeds_hbm, pos0, pos0, k0)


_sc_kernel = functools.partial(
    pl.kernel,
    out_type=jax.ShapeDtypeStruct((N, D), jnp.float32),
    mesh=plsc.VectorSubcoreMesh(core_axis_name="c", subcore_axis_name="s"),
    scratch_types=[
        pltpu.VMEM((N,), jnp.int32),
        pltpu.VMEM((IDX_ROWS, G), jnp.int32),
        pltpu.VMEM((IDX_ROWS, G), jnp.int32),
        pltpu.VMEM((IDX_ROWS, G), jnp.int32),
        pltpu.VMEM((G, D), jnp.float32),
        pltpu.SemaphoreType.DMA,
    ],
    compiler_params=pltpu.CompilerParams(needs_layout_passes=False),
)(_sc_body)


@jax.jit
def kernel(inputs_embeds_row, mask_1d, source):
    mask_i32 = mask_1d.astype(jnp.int32)
    return _sc_kernel(mask_i32, inputs_embeds_row, source)

# --- scband reference (transcript-rebuilt; emitter-appended) ---
"""Pipeline reference for scband-full-new-decomp-4269197492502 (READ-ONLY COPY).

The authoritative reference and input builder live on the scoring server;
editing this copy changes nothing except your own understanding.
"""

import jax, jax.numpy as jnp
import numpy as np

N, D = 32768, 1024
MAX_VAL = 32767

def setup_inputs(seed: int = 0) -> dict:
    key = jax.random.key(seed)
    k1, k2, k3 = jax.random.split(key, 3)
    inputs_embeds_row = jax.random.normal(k1, (N, D), dtype=jnp.float32)
    mask_1d = jax.random.randint(k2, (N,), 0, 2).astype(jnp.bool_)
    source = jax.random.normal(k3, (N, D), dtype=jnp.float32)
    return {"inputs_embeds_row": inputs_embeds_row, "mask_1d": mask_1d, "source": source}

def reference(inputs_embeds_row, mask_1d, source):
    # mask_i = mask_1d.long(); source_idx = cumsum(mask_i) - 1, clamped to [0, max_val]
    mask_i = mask_1d.astype(jnp.int32)
    source_idx = jnp.cumsum(mask_i, axis=0) - 1
    source_idx = jnp.clip(source_idx, 0, MAX_VAL)
    # torch.gather(source, 0, idx.unsqueeze(-1).expand_as(x)) with identical index per
    # column is a row gather -> jnp.take along axis 0
    gathered_rows = jnp.take(source, source_idx, axis=0)
    return jnp.where(mask_1d[:, None], gathered_rows, inputs_embeds_row)

if __name__ == "__main__":
    import jax
    _d = setup_inputs()
    print(jax.jit(kernel)(*tuple(_d.values())))

</pallas_src>

<mosaic_0001>
#map = affine_map<(d0, d1) -> (0)>
#map1 = affine_map<(d0, d1) -> (0, 0)>
module attributes {stable_mosaic.version = 14 : i64} {
  func.func @_sc_body(%arg0: i32, %arg1: i32, %arg2: memref<32768xi32, #tpu.memory_space<hbm>>, %arg3: memref<32768x1024xf32, #tpu.memory_space<hbm>>, %arg4: memref<32768x1024xf32, #tpu.memory_space<hbm>>, %arg5: memref<32768x1024xf32, #tpu.memory_space<hbm>>, %arg6: memref<32768xi32, #tpu.memory_space<vmem>>, %arg7: memref<34x32xi32, #tpu.memory_space<vmem>>, %arg8: memref<34x32xi32, #tpu.memory_space<vmem>>, %arg9: memref<34x32xi32, #tpu.memory_space<vmem>>, %arg10: memref<32x1024xf32, #tpu.memory_space<vmem>>, %arg11: memref<!tpu.dma_semaphore, #tpu.memory_space<semaphore_mem>>) attributes {dimension_semantics = [#tpu.dimension_semantics<core_parallel>, #tpu.dimension_semantics<subcore_parallel>], iteration_bounds = array<i64: 2, 16>, scalar_prefetch = 0 : i64, scratch_operands = 6 : i64, tpu.core_type = #tpu.core_type<sc_vector_subcore>, window_params = [{transform_indices = #map}, {transform_indices = #map1}, {transform_indices = #map1}, {transform_indices = #map1}]} {
    %mul3A = arith.constant 2 : i32
    %mul3A_0 = arith.muli %arg1, %mul3A : i32
    %add3A = arith.addi %mul3A_0, %arg0 : i32
    %mul3A_1 = arith.constant 1024 : i32
    %mul3A_2 = arith.muli %add3A, %mul3A_1 : i32
    %iota3A = tpu.iota {dimensions = array<i32: 0>} : vector<16xi32>
    %broadcast_in_dim3A = arith.constant 0 : i32
    %broadcast_in_dim3A_3 = vector.broadcast %broadcast_in_dim3A : i32 to vector<16xi32>
    "tpu.region"() ({
      %run_scoped3A = tpu.sem_alloc : memref<!tpu.dma_semaphore, #tpu.memory_space<semaphore_mem>>
      tpu.enqueue_dma source(%arg2 : memref<32768xi32, #tpu.memory_space<hbm>>) target(%arg6 : memref<32768xi32, #tpu.memory_space<vmem>>) target_semaphore(%run_scoped3A : memref<!tpu.dma_semaphore, #tpu.memory_space<semaphore_mem>>)
      tpu.wait_dma2 semaphore(%run_scoped3A : memref<!tpu.dma_semaphore, #tpu.memory_space<semaphore_mem>>) src(%arg2 : memref<32768xi32, #tpu.memory_space<hbm>>) dst(%arg6 : memref<32768xi32, #tpu.memory_space<vmem>>)
      tpu.yield
    }) : () -> ()
    %mul3A_4 = arith.constant 64 : i32
    %mul3A_5 = arith.muli %add3A, %mul3A_4 : i32
    %while3A = arith.constant 0 : i32
    %while3A_6 = arith.subi %mul3A_5, %while3A : i32
    %while3A_7 = arith.addi %while3A, %while3A_6 : i32
    %while3A_8 = arith.constant 1 : i32
    %while3A_9 = arith.divsi %while3A_6, %while3A_8 : i32
    %while3A_10 = arith.muli %while3A_9, %while3A_8 : i32
    %while3A_11 = arith.addi %while3A, %while3A_10 : i32
    %while3A_12 = arith.constant 1 : i32
    %while3A_13 = scf.for %while3A_46 = %while3A to %while3A_11 step %while3A_12 iter_args(%while3A_47 = %broadcast_in_dim3A_3) -> (vector<16xi32>)  : i32 {
      %mul3A_48 = arith.constant 16 : i32
      %mul3A_49 = arith.muli %while3A_46, %mul3A_48 : i32
      %get3A = arith.index_cast %mul3A_49 : i32 to index
      %get3A_50 = tpu.vector_load %arg6[%get3A] {strides = array<i32>} : memref<32768xi32, #tpu.memory_space<vmem>>, vector<16xi32>,
      %add3A_51 = arith.addi %while3A_47, %get3A_50 : vector<16xi32>
      scf.yield %add3A_51 : vector<16xi32>
    }
    %while3A_14 = arith.constant 1 : i32
    %while3A_15 = scf.for %while3A_46 = %while3A_11 to %while3A_7 step %while3A_14 iter_args(%while3A_47 = %while3A_13) -> (vector<16xi32>)  : i32 {
      %mul3A_48 = arith.constant 16 : i32
      %mul3A_49 = arith.muli %while3A_46, %mul3A_48 : i32
      %get3A = arith.index_cast %mul3A_49 : i32 to index
      %get3A_50 = tpu.vector_load %arg6[%get3A] {strides = array<i32>} : memref<32768xi32, #tpu.memory_space<vmem>>, vector<16xi32>,
      %add3A_51 = arith.addi %while3A_47, %get3A_50 : vector<16xi32>
      scf.yield %add3A_51 : vector<16xi32>
    }
    %reduce_sum3A = arith.constant true
    %reduce_sum3A_16 = vector.broadcast %reduce_sum3A : i1 to vector<16xi1>
    %reduce_sum3A_17 = tpu.scan <sum>, %while3A_15 masked %reduce_sum3A_16 : vector<16xi32>, vector<16xi1> -> vector<16xi32>
    %reduce_sum3A_18 = vector.extract %reduce_sum3A_17[15] : i32 from vector<16xi32>
    %scan3A = arith.constant 0 : i32
    %scan3A_19 = arith.constant 64 : i32
    %scan3A_20 = arith.addi %scan3A, %scan3A_19 : i32
    %scan3A_21 = arith.constant 1 : i32
    %scan3A_22:2 = scf.for %scan3A_46 = %scan3A to %scan3A_20 step %scan3A_21 iter_args(%scan3A_47 = %broadcast_in_dim3A_3, %scan3A_48 = %broadcast_in_dim3A_3) -> (vector<16xi32>, vector<16xi32>)  : i32 {
      %mul3A_49 = arith.constant 16 : i32
      %mul3A_50 = arith.muli %scan3A_46, %mul3A_49 : i32
      %add3A_51 = arith.addi %mul3A_2, %mul3A_50 : i32
      %get3A = arith.index_cast %add3A_51 : i32 to index
      %get3A_52 = tpu.vector_load %arg6[%get3A] {strides = array<i32>} : memref<32768xi32, #tpu.memory_space<vmem>>, vector<16xi32>,
      %gt3A_53 = arith.constant 0 : i32
      %gt3A_54 = vector.broadcast %gt3A_53 : i32 to vector<16xi32>
      %gt3A_55 = arith.cmpi sgt, %get3A_52, %gt3A_54 : vector<16xi32>
      %broadcast_in_dim3A_56 = arith.constant true
      %broadcast_in_dim3A_57 = vector.broadcast %broadcast_in_dim3A_56 : i1 to vector<16xi1>
      %masked_cumsum3A = tpu.scan <sum>, %get3A_52 masked %broadcast_in_dim3A_57 : vector<16xi32>, vector<16xi1> -> vector<16xi32>
      %sub3A = arith.constant 1 : i32
      %sub3A_58 = vector.broadcast %sub3A : i32 to vector<16xi32>
      %sub3A_59 = arith.subi %sub3A_58, %get3A_52 : vector<16xi32>
      %broadcast_in_dim3A_60 = arith.constant true
      %broadcast_in_dim3A_61 = vector.broadcast %broadcast_in_dim3A_60 : i1 to vector<16xi1>
      %masked_cumsum3A_62 = tpu.scan <sum>, %sub3A_59 masked %broadcast_in_dim3A_61 : vector<16xi32>, vector<16xi1> -> vector<16xi32>
      %add3A_63 = arith.addi %scan3A_47, %masked_cumsum3A : vector<16xi32>
      %sub3A_64 = arith.constant 1 : i32
      %sub3A_65 = vector.broadcast %sub3A_64 : i32 to vector<16xi32>
      %sub3A_66 = arith.subi %add3A_63, %sub3A_65 : vector<16xi32>
      %add3A_67 = arith.addi %scan3A_48, %masked_cumsum3A_62 : vector<16xi32>
      %sub3A_68 = arith.constant 1 : i32
      %sub3A_69 = vector.broadcast %sub3A_68 : i32 to vector<16xi32>
      %sub3A_70 = arith.subi %add3A_67, %sub3A_69 : vector<16xi32>
      %mul3A_71 = arith.constant 16 : i32
      %mul3A_72 = arith.muli %scan3A_46, %mul3A_71 : i32
      %add3A_73 = arith.addi %mul3A_2, %mul3A_72 : i32
      %add3A_74 = vector.broadcast %add3A_73 : i32 to vector<16xi32>
      %add3A_75 = arith.addi %add3A_74, %iota3A : vector<16xi32>
      %add3A_76 = vector.broadcast %reduce_sum3A_18 : i32 to vector<16xi32>
      %add3A_77 = arith.addi %add3A_76, %sub3A_66 : vector<16xi32>
      %shift_right_arithmetic3A = arith.constant 5 : i32
      %shift_right_arithmetic3A_78 = vector.broadcast %shift_right_arithmetic3A : i32 to vector<16xi32>
      %shift_right_arithmetic3A_79 = arith.shrsi %sub3A_66, %shift_right_arithmetic3A_78 : vector<16xi32>
      %and3A = arith.constant 31 : i32
      %and3A_80 = vector.broadcast %and3A : i32 to vector<16xi32>
      %and3A_81 = arith.andi %sub3A_66, %and3A_80 : vector<16xi32>
      tpu.vector_store_idx %arg7[%shift_right_arithmetic3A_79, %and3A_81], %add3A_75 masked %gt3A_55 : memref<34x32xi32, #tpu.memory_space<vmem>>[vector<16xi32>, vector<16xi32>], vector<16xi32>, vector<16xi1>
      %shift_right_arithmetic3A_82 = arith.constant 5 : i32
      %shift_right_arithmetic3A_83 = vector.broadcast %shift_right_arithmetic3A_82 : i32 to vector<16xi32>
      %shift_right_arithmetic3A_84 = arith.shrsi %sub3A_66, %shift_right_arithmetic3A_83 : vector<16xi32>
      %and3A_85 = arith.constant 31 : i32
      %and3A_86 = vector.broadcast %and3A_85 : i32 to vector<16xi32>
      %and3A_87 = arith.andi %sub3A_66, %and3A_86 : vector<16xi32>
      tpu.vector_store_idx %arg8[%shift_right_arithmetic3A_84, %and3A_87], %add3A_77 masked %gt3A_55 : memref<34x32xi32, #tpu.memory_space<vmem>>[vector<16xi32>, vector<16xi32>], vector<16xi32>, vector<16xi1>
      %shift_right_arithmetic3A_88 = arith.constant 5 : i32
      %shift_right_arithmetic3A_89 = vector.broadcast %shift_right_arithmetic3A_88 : i32 to vector<16xi32>
      %shift_right_arithmetic3A_90 = arith.shrsi %sub3A_70, %shift_right_arithmetic3A_89 : vector<16xi32>
      %and3A_91 = arith.constant 31 : i32
      %and3A_92 = vector.broadcast %and3A_91 : i32 to vector<16xi32>
      %and3A_93 = arith.andi %sub3A_70, %and3A_92 : vector<16xi32>
      %not3A = arith.constant dense<true> : vector<16xi1>
      %not3A_94 = arith.xori %gt3A_55, %not3A : vector<16xi1>
      tpu.vector_store_idx %arg9[%shift_right_arithmetic3A_90, %and3A_93], %add3A_75 masked %not3A_94 : memref<34x32xi32, #tpu.memory_space<vmem>>[vector<16xi32>, vector<16xi32>], vector<16xi32>, vector<16xi1>
      %all_reduce_population_count3A = tpu.all_reduce %gt3A_55 {dim = 0 : i64, kind = #tpu.reduction_kind<sum>} : vector<16xi1> -> vector<16xi32>
      %add3A_95 = arith.addi %scan3A_47, %all_reduce_population_count3A : vector<16xi32>
      %sub3A_96 = arith.constant 16 : i32
      %sub3A_97 = vector.broadcast %sub3A_96 : i32 to vector<16xi32>
      %sub3A_98 = arith.subi %sub3A_97, %all_reduce_population_count3A : vector<16xi32>
      %add3A_99 = arith.addi %scan3A_48, %sub3A_98 : vector<16xi32>
      scf.yield %add3A_95, %add3A_99 : vector<16xi32>, vector<16xi32>
    }
    %scan3A_23 = arith.constant 64 : i32
    %reduce_max3A = arith.constant true
    %reduce_max3A_24 = vector.broadcast %reduce_max3A : i1 to vector<16xi1>
    %reduce_max3A_25 = arith.constant -2147483648 : i32
    %reduce_max3A_26 = vector.broadcast %reduce_max3A_25 : i32 to vector<16xi32>
    %reduce_max3A_27 = arith.xori %scan3A_22#0, %reduce_max3A_26 : vector<16xi32>
    %reduce_max3A_28 = tpu.scan <max>, %reduce_max3A_27 masked %reduce_max3A_24 : vector<16xi32>, vector<16xi1> -> vector<16xi32>
    %reduce_max3A_29 = arith.xori %reduce_max3A_28, %reduce_max3A_26 : vector<16xi32>
    %reduce_max3A_30 = vector.extract %reduce_max3A_29[15] : i32 from vector<16xi32>
    %reduce_max3A_31 = arith.constant true
    %reduce_max3A_32 = vector.broadcast %reduce_max3A_31 : i1 to vector<16xi1>
    %reduce_max3A_33 = arith.constant -2147483648 : i32
    %reduce_max3A_34 = vector.broadcast %reduce_max3A_33 : i32 to vector<16xi32>
    %reduce_max3A_35 = arith.xori %scan3A_22#1, %reduce_max3A_34 : vector<16xi32>
    %reduce_max3A_36 = tpu.scan <max>, %reduce_max3A_35 masked %reduce_max3A_32 : vector<16xi32>, vector<16xi1> -> vector<16xi32>
    %reduce_max3A_37 = arith.xori %reduce_max3A_36, %reduce_max3A_34 : vector<16xi32>
    %reduce_max3A_38 = vector.extract %reduce_max3A_37[15] : i32 from vector<16xi32>
    %gt3A = arith.constant 0 : i32
    %gt3A_39 = arith.cmpi sgt, %reduce_max3A_30, %gt3A : i32
    %convert_element_type3A = arith.extui %gt3A_39 : i1 to i32
    %cond3A = arith.constant 0 : i32
    %cond3A_40 = arith.cmpi ne, %convert_element_type3A, %cond3A : i32
    scf.if %cond3A_40 {
      %sub3A = arith.constant 1 : i32
      %sub3A_46 = arith.subi %reduce_max3A_30, %sub3A : i32
      %shift_right_arithmetic3A = arith.constant 5 : i32
      %shift_right_arithmetic3A_47 = arith.shrsi %sub3A_46, %shift_right_arithmetic3A : i32
      %broadcast_in_dim3A_48 = vector.broadcast %shift_right_arithmetic3A_47 : i32 to vector<16xi32>
      %sub3A_49 = arith.constant 1 : i32
      %sub3A_50 = arith.subi %reduce_max3A_30, %sub3A_49 : i32
      %and3A = arith.constant 31 : i32
      %and3A_51 = arith.andi %sub3A_50, %and3A : i32
      %broadcast_in_dim3A_52 = vector.broadcast %and3A_51 : i32 to vector<16xi32>
      %gather3A = tpu.vector_load_idx %arg7[%broadcast_in_dim3A_48, %broadcast_in_dim3A_52] : memref<34x32xi32, #tpu.memory_space<vmem>>[vector<16xi32>, vector<16xi32>], vector<16xi32>,
      %add3A_53 = arith.constant 0 : i32
      %add3A_54 = arith.addi %reduce_max3A_30, %add3A_53 : i32
      %add3A_55 = vector.broadcast %add3A_54 : i32 to vector<16xi32>
      %add3A_56 = arith.addi %add3A_55, %iota3A : vector<16xi32>
      %shift_right_arithmetic3A_57 = arith.constant 5 : i32
      %shift_right_arithmetic3A_58 = vector.broadcast %shift_right_arithmetic3A_57 : i32 to vector<16xi32>
      %shift_right_arithmetic3A_59 = arith.shrsi %add3A_56, %shift_right_arithmetic3A_58 : vector<16xi32>
      %and3A_60 = arith.constant 31 : i32
      %and3A_61 = vector.broadcast %and3A_60 : i32 to vector<16xi32>
      %and3A_62 = arith.andi %add3A_56, %and3A_61 : vector<16xi32>
      tpu.vector_store_idx %arg7[%shift_right_arithmetic3A_59, %and3A_62], %gather3A : memref<34x32xi32, #tpu.memory_space<vmem>>[vector<16xi32>, vector<16xi32>], vector<16xi32>,
      %add3A_63 = arith.constant 16 : i32
      %add3A_64 = arith.addi %reduce_max3A_30, %add3A_63 : i32
      %add3A_65 = vector.broadcast %add3A_64 : i32 to vector<16xi32>
      %add3A_66 = arith.addi %add3A_65, %iota3A : vector<16xi32>
      %shift_right_arithmetic3A_67 = arith.constant 5 : i32
      %shift_right_arithmetic3A_68 = vector.broadcast %shift_right_arithmetic3A_67 : i32 to vector<16xi32>
      %shift_right_arithmetic3A_69 = arith.shrsi %add3A_66, %shift_right_arithmetic3A_68 : vector<16xi32>
      %and3A_70 = arith.constant 31 : i32
      %and3A_71 = vector.broadcast %and3A_70 : i32 to vector<16xi32>
      %and3A_72 = arith.andi %add3A_66, %and3A_71 : vector<16xi32>
      tpu.vector_store_idx %arg7[%shift_right_arithmetic3A_69, %and3A_72], %gather3A : memref<34x32xi32, #tpu.memory_space<vmem>>[vector<16xi32>, vector<16xi32>], vector<16xi32>,
      %sub3A_73 = arith.constant 1 : i32
      %sub3A_74 = arith.subi %reduce_max3A_30, %sub3A_73 : i32
      %shift_right_arithmetic3A_75 = arith.constant 5 : i32
      %shift_right_arithmetic3A_76 = arith.shrsi %sub3A_74, %shift_right_arithmetic3A_75 : i32
      %broadcast_in_dim3A_77 = vector.broadcast %shift_right_arithmetic3A_76 : i32 to vector<16xi32>
      %sub3A_78 = arith.constant 1 : i32
      %sub3A_79 = arith.subi %reduce_max3A_30, %sub3A_78 : i32
      %and3A_80 = arith.constant 31 : i32
      %and3A_81 = arith.andi %sub3A_79, %and3A_80 : i32
      %broadcast_in_dim3A_82 = vector.broadcast %and3A_81 : i32 to vector<16xi32>
      %gather3A_83 = tpu.vector_load_idx %arg8[%broadcast_in_dim3A_77, %broadcast_in_dim3A_82] : memref<34x32xi32, #tpu.memory_space<vmem>>[vector<16xi32>, vector<16xi32>], vector<16xi32>,
      %add3A_84 = arith.constant 0 : i32
      %add3A_85 = arith.addi %reduce_max3A_30, %add3A_84 : i32
      %add3A_86 = vector.broadcast %add3A_85 : i32 to vector<16xi32>
      %add3A_87 = arith.addi %add3A_86, %iota3A : vector<16xi32>
      %shift_right_arithmetic3A_88 = arith.constant 5 : i32
      %shift_right_arithmetic3A_89 = vector.broadcast %shift_right_arithmetic3A_88 : i32 to vector<16xi32>
      %shift_right_arithmetic3A_90 = arith.shrsi %add3A_87, %shift_right_arithmetic3A_89 : vector<16xi32>
      %and3A_91 = arith.constant 31 : i32
      %and3A_92 = vector.broadcast %and3A_91 : i32 to vector<16xi32>
      %and3A_93 = arith.andi %add3A_87, %and3A_92 : vector<16xi32>
      tpu.vector_store_idx %arg8[%shift_right_arithmetic3A_90, %and3A_93], %gather3A_83 : memref<34x32xi32, #tpu.memory_space<vmem>>[vector<16xi32>, vector<16xi32>], vector<16xi32>,
      %add3A_94 = arith.constant 16 : i32
      %add3A_95 = arith.addi %reduce_max3A_30, %add3A_94 : i32
      %add3A_96 = vector.broadcast %add3A_95 : i32 to vector<16xi32>
      %add3A_97 = arith.addi %add3A_96, %iota3A : vector<16xi32>
      %shift_right_arithmetic3A_98 = arith.constant 5 : i32
      %shift_right_arithmetic3A_99 = vector.broadcast %shift_right_arithmetic3A_98 : i32 to vector<16xi32>
      %shift_right_arithmetic3A_100 = arith.shrsi %add3A_97, %shift_right_arithmetic3A_99 : vector<16xi32>
      %and3A_101 = arith.constant 31 : i32
      %and3A_102 = vector.broadcast %and3A_101 : i32 to vector<16xi32>
      %and3A_103 = arith.andi %add3A_97, %and3A_102 : vector<16xi32>
      tpu.vector_store_idx %arg8[%shift_right_arithmetic3A_100, %and3A_103], %gather3A_83 : memref<34x32xi32, #tpu.memory_space<vmem>>[vector<16xi32>, vector<16xi32>], vector<16xi32>,
      %add3A_104 = arith.constant 32 : i32
      %add3A_105 = arith.addi %reduce_max3A_30, %add3A_104 : i32
      %sub3A_106 = arith.constant 1 : i32
      %sub3A_107 = arith.subi %add3A_105, %sub3A_106 : i32
      %jit3A = arith.constant 32 : i32
      %div3A = arith.divsi %sub3A_107, %jit3A : i32
      %sign3A = arith.constant 0 : i32
      %sign3A_108 = arith.cmpi sgt, %sub3A_107, %sign3A : i32
      %sign3A_109 = arith.extui %sign3A_108 : i1 to i32
      %sign3A_110 = arith.constant 0 : i32
      %sign3A_111 = arith.cmpi slt, %sub3A_107, %sign3A_110 : i32
      %sign3A_112 = arith.extui %sign3A_111 : i1 to i32
      %sign3A_113 = arith.subi %sign3A_109, %sign3A_112 : i32
      %sign3A_114 = arith.constant 0 : i32
      %sign3A_115 = arith.cmpi sgt, %jit3A, %sign3A_114 : i32
      %sign3A_116 = arith.extui %sign3A_115 : i1 to i32
      %sign3A_117 = arith.constant 0 : i32
      %sign3A_118 = arith.cmpi slt, %jit3A, %sign3A_117 : i32
      %sign3A_119 = arith.extui %sign3A_118 : i1 to i32
      %sign3A_120 = arith.subi %sign3A_116, %sign3A_119 : i32
      %ne3A = arith.cmpi ne, %sign3A_113, %sign3A_120 : i32
      %rem3A = arith.remsi %sub3A_107, %jit3A : i32
      %ne3A_121 = arith.constant 0 : i32
      %ne3A_122 = arith.cmpi ne, %rem3A, %ne3A_121 : i32
      %and3A_123 = arith.andi %ne3A, %ne3A_122 : i1
      %sub3A_124 = arith.constant 1 : i32
      %sub3A_125 = arith.subi %div3A, %sub3A_124 : i32
      %select_n3A = arith.select %and3A_123, %sub3A_125, %div3A : i32
      %while3A_126 = arith.constant 0 : i32
      %while3A_127 = arith.constant 0 : i32
      %while3A_128 = arith.subi %select_n3A, %while3A_127 : i32
      %while3A_129 = arith.addi %while3A_127, %while3A_128 : i32
      %while3A_130 = arith.constant 1 : i32
      %while3A_131 = arith.divsi %while3A_128, %while3A_130 : i32
      %while3A_132 = arith.muli %while3A_131, %while3A_130 : i32
      %while3A_133 = arith.addi %while3A_127, %while3A_132 : i32
      %while3A_134 = arith.constant 1 : i32
      scf.for %while3A_136 = %while3A_127 to %while3A_133 step %while3A_134  : i32 {
        %dma_start3A = arith.constant 0 : i32
        %dma_start3A_137 = tpu.memref_slice %arg8[%while3A_136, %dma_start3A] : memref<34x32xi32, #tpu.memory_space<vmem>> -> memref<1x32xi32, #tpu.memory_space<vmem>>
        %dma_start3A_138 = tpu.memref_squeeze %dma_start3A_137 : memref<1x32xi32, #tpu.memory_space<vmem>> -> memref<32xi32, #tpu.memory_space<vmem>>
        %dma_start3A_139 = arith.constant 0 : i32
        %dma_start3A_140 = arith.constant 0 : i32
        %dma_start3A_141 = tpu.memref_slice %arg4[%dma_start3A_139, %dma_start3A_140] : memref<32768x1024xf32, #tpu.memory_space<hbm>> -> memref<32768x1024xf32, #tpu.memory_space<hbm>>
        tpu.enqueue_indirect_dma source(%dma_start3A_141 : memref<32768x1024xf32, #tpu.memory_space<hbm>>) target(%arg10 : memref<32x1024xf32, #tpu.memory_space<vmem>>) offsets(%dma_start3A_138 : memref<32xi32, #tpu.memory_space<vmem>>) semaphore(%arg11 : memref<!tpu.dma_semaphore, #tpu.memory_space<semaphore_mem>>)
        %dma_wait3A = arith.constant 0 : i32
        %dma_wait3A_142 = tpu.memref_slice %arg8[%while3A_136, %dma_wait3A] : memref<34x32xi32, #tpu.memory_space<vmem>> -> memref<1x32xi32, #tpu.memory_space<vmem>>
        %dma_wait3A_143 = tpu.memref_squeeze %dma_wait3A_142 : memref<1x32xi32, #tpu.memory_space<vmem>> -> memref<32xi32, #tpu.memory_space<vmem>>
        %dma_wait3A_144 = arith.constant 0 : i32
        %dma_wait3A_145 = arith.constant 0 : i32
        %dma_wait3A_146 = tpu.memref_slice %arg4[%dma_wait3A_144, %dma_wait3A_145] : memref<32768x1024xf32, #tpu.memory_space<hbm>> -> memref<32768x1024xf32, #tpu.memory_space<hbm>>
        tpu.wait_indirect_dma semaphore(%arg11 : memref<!tpu.dma_semaphore, #tpu.memory_space<semaphore_mem>>) src(%dma_wait3A_146 : memref<32768x1024xf32, #tpu.memory_space<hbm>>) dst(%arg10 : memref<32x1024xf32, #tpu.memory_space<vmem>>)
        %dma_start3A_147 = arith.constant 0 : i32
        %dma_start3A_148 = tpu.memref_slice %arg7[%while3A_136, %dma_start3A_147] : memref<34x32xi32, #tpu.memory_space<vmem>> -> memref<1x32xi32, #tpu.memory_space<vmem>>
        %dma_start3A_149 = tpu.memref_squeeze %dma_start3A_148 : memref<1x32xi32, #tpu.memory_space<vmem>> -> memref<32xi32, #tpu.memory_space<vmem>>
        %dma_start3A_150 = arith.constant 0 : i32
        %dma_start3A_151 = arith.constant 0 : i32
        %dma_start3A_152 = tpu.memref_slice %arg5[%dma_start3A_150, %dma_start3A_151] : memref<32768x1024xf32, #tpu.memory_space<hbm>> -> memref<32768x1024xf32, #tpu.memory_space<hbm>>
        tpu.enqueue_indirect_dma source(%arg10 : memref<32x1024xf32, #tpu.memory_space<vmem>>) target(%dma_start3A_152 : memref<32768x1024xf32, #tpu.memory_space<hbm>>) offsets(%dma_start3A_149 : memref<32xi32, #tpu.memory_space<vmem>>) semaphore(%arg11 : memref<!tpu.dma_semaphore, #tpu.memory_space<semaphore_mem>>)
        %dma_wait3A_153 = arith.constant 0 : i32
        %dma_wait3A_154 = tpu.memref_slice %arg7[%while3A_136, %dma_wait3A_153] : memref<34x32xi32, #tpu.memory_space<vmem>> -> memref<1x32xi32, #tpu.memory_space<vmem>>
        %dma_wait3A_155 = tpu.memref_squeeze %dma_wait3A_154 : memref<1x32xi32, #tpu.memory_space<vmem>> -> memref<32xi32, #tpu.memory_space<vmem>>
        %dma_wait3A_156 = arith.constant 0 : i32
        %dma_wait3A_157 = arith.constant 0 : i32
        %dma_wait3A_158 = tpu.memref_slice %arg5[%dma_wait3A_156, %dma_wait3A_157] : memref<32768x1024xf32, #tpu.memory_space<hbm>> -> memref<32768x1024xf32, #tpu.memory_space<hbm>>
        tpu.wait_indirect_dma semaphore(%arg11 : memref<!tpu.dma_semaphore, #tpu.memory_space<semaphore_mem>>) src(%arg10 : memref<32x1024xf32, #tpu.memory_space<vmem>>) dst(%dma_wait3A_158 : memref<32768x1024xf32, #tpu.memory_space<hbm>>)
      }
      %while3A_135 = arith.constant 1 : i32
      scf.for %while3A_136 = %while3A_133 to %while3A_129 step %while3A_135  : i32 {
        %dma_start3A = arith.constant 0 : i32
        %dma_start3A_137 = tpu.memref_slice %arg8[%while3A_136, %dma_start3A] : memref<34x32xi32, #tpu.memory_space<vmem>> -> memref<1x32xi32, #tpu.memory_space<vmem>>
        %dma_start3A_138 = tpu.memref_squeeze %dma_start3A_137 : memref<1x32xi32, #tpu.memory_space<vmem>> -> memref<32xi32, #tpu.memory_space<vmem>>
        %dma_start3A_139 = arith.constant 0 : i32
        %dma_start3A_140 = arith.constant 0 : i32
        %dma_start3A_141 = tpu.memref_slice %arg4[%dma_start3A_139, %dma_start3A_140] : memref<32768x1024xf32, #tpu.memory_space<hbm>> -> memref<32768x1024xf32, #tpu.memory_space<hbm>>
        tpu.enqueue_indirect_dma source(%dma_start3A_141 : memref<32768x1024xf32, #tpu.memory_space<hbm>>) target(%arg10 : memref<32x1024xf32, #tpu.memory_space<vmem>>) offsets(%dma_start3A_138 : memref<32xi32, #tpu.memory_space<vmem>>) semaphore(%arg11 : memref<!tpu.dma_semaphore, #tpu.memory_space<semaphore_mem>>)
        %dma_wait3A = arith.constant 0 : i32
        %dma_wait3A_142 = tpu.memref_slice %arg8[%while3A_136, %dma_wait3A] : memref<34x32xi32, #tpu.memory_space<vmem>> -> memref<1x32xi32, #tpu.memory_space<vmem>>
        %dma_wait3A_143 = tpu.memref_squeeze %dma_wait3A_142 : memref<1x32xi32, #tpu.memory_space<vmem>> -> memref<32xi32, #tpu.memory_space<vmem>>
        %dma_wait3A_144 = arith.constant 0 : i32
        %dma_wait3A_145 = arith.constant 0 : i32
        %dma_wait3A_146 = tpu.memref_slice %arg4[%dma_wait3A_144, %dma_wait3A_145] : memref<32768x1024xf32, #tpu.memory_space<hbm>> -> memref<32768x1024xf32, #tpu.memory_space<hbm>>
        tpu.wait_indirect_dma semaphore(%arg11 : memref<!tpu.dma_semaphore, #tpu.memory_space<semaphore_mem>>) src(%dma_wait3A_146 : memref<32768x1024xf32, #tpu.memory_space<hbm>>) dst(%arg10 : memref<32x1024xf32, #tpu.memory_space<vmem>>)
        %dma_start3A_147 = arith.constant 0 : i32
        %dma_start3A_148 = tpu.memref_slice %arg7[%while3A_136, %dma_start3A_147] : memref<34x32xi32, #tpu.memory_space<vmem>> -> memref<1x32xi32, #tpu.memory_space<vmem>>
        %dma_start3A_149 = tpu.memref_squeeze %dma_start3A_148 : memref<1x32xi32, #tpu.memory_space<vmem>> -> memref<32xi32, #tpu.memory_space<vmem>>
        %dma_start3A_150 = arith.constant 0 : i32
        %dma_start3A_151 = arith.constant 0 : i32
        %dma_start3A_152 = tpu.memref_slice %arg5[%dma_start3A_150, %dma_start3A_151] : memref<32768x1024xf32, #tpu.memory_space<hbm>> -> memref<32768x1024xf32, #tpu.memory_space<hbm>>
        tpu.enqueue_indirect_dma source(%arg10 : memref<32x1024xf32, #tpu.memory_space<vmem>>) target(%dma_start3A_152 : memref<32768x1024xf32, #tpu.memory_space<hbm>>) offsets(%dma_start3A_149 : memref<32xi32, #tpu.memory_space<vmem>>) semaphore(%arg11 : memref<!tpu.dma_semaphore, #tpu.memory_space<semaphore_mem>>)
        %dma_wait3A_153 = arith.constant 0 : i32
        %dma_wait3A_154 = tpu.memref_slice %arg7[%while3A_136, %dma_wait3A_153] : memref<34x32xi32, #tpu.memory_space<vmem>> -> memref<1x32xi32, #tpu.memory_space<vmem>>
        %dma_wait3A_155 = tpu.memref_squeeze %dma_wait3A_154 : memref<1x32xi32, #tpu.memory_space<vmem>> -> memref<32xi32, #tpu.memory_space<vmem>>
        %dma_wait3A_156 = arith.constant 0 : i32
        %dma_wait3A_157 = arith.constant 0 : i32
        %dma_wait3A_158 = tpu.memref_slice %arg5[%dma_wait3A_156, %dma_wait3A_157] : memref<32768x1024xf32, #tpu.memory_space<hbm>> -> memref<32768x1024xf32, #tpu.memory_space<hbm>>
        tpu.wait_indirect_dma semaphore(%arg11 : memref<!tpu.dma_semaphore, #tpu.memory_space<semaphore_mem>>) src(%arg10 : memref<32x1024xf32, #tpu.memory_space<vmem>>) dst(%dma_wait3A_158 : memref<32768x1024xf32, #tpu.memory_space<hbm>>)
      }
    } else {
    }
    %gt3A_41 = arith.constant 0 : i32
    %gt3A_42 = arith.cmpi sgt, %reduce_max3A_38, %gt3A_41 : i32
    %convert_element_type3A_43 = arith.extui %gt3A_42 : i1 to i32
    %cond3A_44 = arith.constant 0 : i32
    %cond3A_45 = arith.cmpi ne, %convert_element_type3A_43, %cond3A_44 : i32
    scf.if %cond3A_45 {
      %sub3A = arith.constant 1 : i32
      %sub3A_46 = arith.subi %reduce_max3A_38, %sub3A : i32
      %shift_right_arithmetic3A = arith.constant 5 : i32
      %shift_right_arithmetic3A_47 = arith.shrsi %sub3A_46, %shift_right_arithmetic3A : i32
      %broadcast_in_dim3A_48 = vector.broadcast %shift_right_arithmetic3A_47 : i32 to vector<16xi32>
      %sub3A_49 = arith.constant 1 : i32
      %sub3A_50 = arith.subi %reduce_max3A_38, %sub3A_49 : i32
      %and3A = arith.constant 31 : i32
      %and3A_51 = arith.andi %sub3A_50, %and3A : i32
      %broadcast_in_dim3A_52 = vector.broadcast %and3A_51 : i32 to vector<16xi32>
      %gather3A = tpu.vector_load_idx %arg9[%broadcast_in_dim3A_48, %broadcast_in_dim3A_52] : memref<34x32xi32, #tpu.memory_space<vmem>>[vector<16xi32>, vector<16xi32>], vector<16xi32>,
      %add3A_53 = arith.constant 0 : i32
      %add3A_54 = arith.addi %reduce_max3A_38, %add3A_53 : i32
      %add3A_55 = vector.broadcast %add3A_54 : i32 to vector<16xi32>
      %add3A_56 = arith.addi %add3A_55, %iota3A : vector<16xi32>
      %shift_right_arithmetic3A_57 = arith.constant 5 : i32
      %shift_right_arithmetic3A_58 = vector.broadcast %shift_right_arithmetic3A_57 : i32 to vector<16xi32>
      %shift_right_arithmetic3A_59 = arith.shrsi %add3A_56, %shift_right_arithmetic3A_58 : vector<16xi32>
      %and3A_60 = arith.constant 31 : i32
      %and3A_61 = vector.broadcast %and3A_60 : i32 to vector<16xi32>
      %and3A_62 = arith.andi %add3A_56, %and3A_61 : vector<16xi32>
      tpu.vector_store_idx %arg9[%shift_right_arithmetic3A_59, %and3A_62], %gather3A : memref<34x32xi32, #tpu.memory_space<vmem>>[vector<16xi32>, vector<16xi32>], vector<16xi32>,
      %add3A_63 = arith.constant 16 : i32
      %add3A_64 = arith.addi %reduce_max3A_38, %add3A_63 : i32
      %add3A_65 = vector.broadcast %add3A_64 : i32 to vector<16xi32>
      %add3A_66 = arith.addi %add3A_65, %iota3A : vector<16xi32>
      %shift_right_arithmetic3A_67 = arith.constant 5 : i32
      %shift_right_arithmetic3A_68 = vector.broadcast %shift_right_arithmetic3A_67 : i32 to vector<16xi32>
      %shift_right_arithmetic3A_69 = arith.shrsi %add3A_66, %shift_right_arithmetic3A_68 : vector<16xi32>
      %and3A_70 = arith.constant 31 : i32
      %and3A_71 = vector.broadcast %and3A_70 : i32 to vector<16xi32>
      %and3A_72 = arith.andi %add3A_66, %and3A_71 : vector<16xi32>
      tpu.vector_store_idx %arg9[%shift_right_arithmetic3A_69, %and3A_72], %gather3A : memref<34x32xi32, #tpu.memory_space<vmem>>[vector<16xi32>, vector<16xi32>], vector<16xi32>,
      %add3A_73 = arith.constant 32 : i32
      %add3A_74 = arith.addi %reduce_max3A_38, %add3A_73 : i32
      %sub3A_75 = arith.constant 1 : i32
      %sub3A_76 = arith.subi %add3A_74, %sub3A_75 : i32
      %jit3A = arith.constant 32 : i32
      %div3A = arith.divsi %sub3A_76, %jit3A : i32
      %sign3A = arith.constant 0 : i32
      %sign3A_77 = arith.cmpi sgt, %sub3A_76, %sign3A : i32
      %sign3A_78 = arith.extui %sign3A_77 : i1 to i32
      %sign3A_79 = arith.constant 0 : i32
      %sign3A_80 = arith.cmpi slt, %sub3A_76, %sign3A_79 : i32
      %sign3A_81 = arith.extui %sign3A_80 : i1 to i32
      %sign3A_82 = arith.subi %sign3A_78, %sign3A_81 : i32
      %sign3A_83 = arith.constant 0 : i32
      %sign3A_84 = arith.cmpi sgt, %jit3A, %sign3A_83 : i32
      %sign3A_85 = arith.extui %sign3A_84 : i1 to i32
      %sign3A_86 = arith.constant 0 : i32
      %sign3A_87 = arith.cmpi slt, %jit3A, %sign3A_86 : i32
      %sign3A_88 = arith.extui %sign3A_87 : i1 to i32
      %sign3A_89 = arith.subi %sign3A_85, %sign3A_88 : i32
      %ne3A = arith.cmpi ne, %sign3A_82, %sign3A_89 : i32
      %rem3A = arith.remsi %sub3A_76, %jit3A : i32
      %ne3A_90 = arith.constant 0 : i32
      %ne3A_91 = arith.cmpi ne, %rem3A, %ne3A_90 : i32
      %and3A_92 = arith.andi %ne3A, %ne3A_91 : i1
      %sub3A_93 = arith.constant 1 : i32
      %sub3A_94 = arith.subi %div3A, %sub3A_93 : i32
      %select_n3A = arith.select %and3A_92, %sub3A_94, %div3A : i32
      %while3A_95 = arith.constant 0 : i32
      %while3A_96 = arith.constant 0 : i32
      %while3A_97 = arith.subi %select_n3A, %while3A_96 : i32
      %while3A_98 = arith.addi %while3A_96, %while3A_97 : i32
      %while3A_99 = arith.constant 1 : i32
      %while3A_100 = arith.divsi %while3A_97, %while3A_99 : i32
      %while3A_101 = arith.muli %while3A_100, %while3A_99 : i32
      %while3A_102 = arith.addi %while3A_96, %while3A_101 : i32
      %while3A_103 = arith.constant 1 : i32
      scf.for %while3A_105 = %while3A_96 to %while3A_102 step %while3A_103  : i32 {
        %dma_start3A = arith.constant 0 : i32
        %dma_start3A_106 = tpu.memref_slice %arg9[%while3A_105, %dma_start3A] : memref<34x32xi32, #tpu.memory_space<vmem>> -> memref<1x32xi32, #tpu.memory_space<vmem>>
        %dma_start3A_107 = tpu.memref_squeeze %dma_start3A_106 : memref<1x32xi32, #tpu.memory_space<vmem>> -> memref<32xi32, #tpu.memory_space<vmem>>
        %dma_start3A_108 = arith.constant 0 : i32
        %dma_start3A_109 = arith.constant 0 : i32
        %dma_start3A_110 = tpu.memref_slice %arg3[%dma_start3A_108, %dma_start3A_109] : memref<32768x1024xf32, #tpu.memory_space<hbm>> -> memref<32768x1024xf32, #tpu.memory_space<hbm>>
        tpu.enqueue_indirect_dma source(%dma_start3A_110 : memref<32768x1024xf32, #tpu.memory_space<hbm>>) target(%arg10 : memref<32x1024xf32, #tpu.memory_space<vmem>>) offsets(%dma_start3A_107 : memref<32xi32, #tpu.memory_space<vmem>>) semaphore(%arg11 : memref<!tpu.dma_semaphore, #tpu.memory_space<semaphore_mem>>)
        %dma_wait3A = arith.constant 0 : i32
        %dma_wait3A_111 = tpu.memref_slice %arg9[%while3A_105, %dma_wait3A] : memref<34x32xi32, #tpu.memory_space<vmem>> -> memref<1x32xi32, #tpu.memory_space<vmem>>
        %dma_wait3A_112 = tpu.memref_squeeze %dma_wait3A_111 : memref<1x32xi32, #tpu.memory_space<vmem>> -> memref<32xi32, #tpu.memory_space<vmem>>
        %dma_wait3A_113 = arith.constant 0 : i32
        %dma_wait3A_114 = arith.constant 0 : i32
        %dma_wait3A_115 = tpu.memref_slice %arg3[%dma_wait3A_113, %dma_wait3A_114] : memref<32768x1024xf32, #tpu.memory_space<hbm>> -> memref<32768x1024xf32, #tpu.memory_space<hbm>>
        tpu.wait_indirect_dma semaphore(%arg11 : memref<!tpu.dma_semaphore, #tpu.memory_space<semaphore_mem>>) src(%dma_wait3A_115 : memref<32768x1024xf32, #tpu.memory_space<hbm>>) dst(%arg10 : memref<32x1024xf32, #tpu.memory_space<vmem>>)
        %dma_start3A_116 = arith.constant 0 : i32
        %dma_start3A_117 = tpu.memref_slice %arg9[%while3A_105, %dma_start3A_116] : memref<34x32xi32, #tpu.memory_space<vmem>> -> memref<1x32xi32, #tpu.memory_space<vmem>>
        %dma_start3A_118 = tpu.memref_squeeze %dma_start3A_117 : memref<1x32xi32, #tpu.memory_space<vmem>> -> memref<32xi32, #tpu.memory_space<vmem>>
        %dma_start3A_119 = arith.constant 0 : i32
        %dma_start3A_120 = arith.constant 0 : i32
        %dma_start3A_121 = tpu.memref_slice %arg5[%dma_start3A_119, %dma_start3A_120] : memref<32768x1024xf32, #tpu.memory_space<hbm>> -> memref<32768x1024xf32, #tpu.memory_space<hbm>>
        tpu.enqueue_indirect_dma source(%arg10 : memref<32x1024xf32, #tpu.memory_space<vmem>>) target(%dma_start3A_121 : memref<32768x1024xf32, #tpu.memory_space<hbm>>) offsets(%dma_start3A_118 : memref<32xi32, #tpu.memory_space<vmem>>) semaphore(%arg11 : memref<!tpu.dma_semaphore, #tpu.memory_space<semaphore_mem>>)
        %dma_wait3A_122 = arith.constant 0 : i32
        %dma_wait3A_123 = tpu.memref_slice %arg9[%while3A_105, %dma_wait3A_122] : memref<34x32xi32, #tpu.memory_space<vmem>> -> memref<1x32xi32, #tpu.memory_space<vmem>>
        %dma_wait3A_124 = tpu.memref_squeeze %dma_wait3A_123 : memref<1x32xi32, #tpu.memory_space<vmem>> -> memref<32xi32, #tpu.memory_space<vmem>>
        %dma_wait3A_125 = arith.constant 0 : i32
        %dma_wait3A_126 = arith.constant 0 : i32
        %dma_wait3A_127 = tpu.memref_slice %arg5[%dma_wait3A_125, %dma_wait3A_126] : memref<32768x1024xf32, #tpu.memory_space<hbm>> -> memref<32768x1024xf32, #tpu.memory_space<hbm>>
        tpu.wait_indirect_dma semaphore(%arg11 : memref<!tpu.dma_semaphore, #tpu.memory_space<semaphore_mem>>) src(%arg10 : memref<32x1024xf32, #tpu.memory_space<vmem>>) dst(%dma_wait3A_127 : memref<32768x1024xf32, #tpu.memory_space<hbm>>)
      }
      %while3A_104 = arith.constant 1 : i32
      scf.for %while3A_105 = %while3A_102 to %while3A_98 step %while3A_104  : i32 {
        %dma_start3A = arith.constant 0 : i32
        %dma_start3A_106 = tpu.memref_slice %arg9[%while3A_105, %dma_start3A] : memref<34x32xi32, #tpu.memory_space<vmem>> -> memref<1x32xi32, #tpu.memory_space<vmem>>
        %dma_start3A_107 = tpu.memref_squeeze %dma_start3A_106 : memref<1x32xi32, #tpu.memory_space<vmem>> -> memref<32xi32, #tpu.memory_space<vmem>>
        %dma_start3A_108 = arith.constant 0 : i32
        %dma_start3A_109 = arith.constant 0 : i32
        %dma_start3A_110 = tpu.memref_slice %arg3[%dma_start3A_108, %dma_start3A_109] : memref<32768x1024xf32, #tpu.memory_space<hbm>> -> memref<32768x1024xf32, #tpu.memory_space<hbm>>
        tpu.enqueue_indirect_dma source(%dma_start3A_110 : memref<32768x1024xf32, #tpu.memory_space<hbm>>) target(%arg10 : memref<32x1024xf32, #tpu.memory_space<vmem>>) offsets(%dma_start3A_107 : memref<32xi32, #tpu.memory_space<vmem>>) semaphore(%arg11 : memref<!tpu.dma_semaphore, #tpu.memory_space<semaphore_mem>>)
        %dma_wait3A = arith.constant 0 : i32
        %dma_wait3A_111 = tpu.memref_slice %arg9[%while3A_105, %dma_wait3A] : memref<34x32xi32, #tpu.memory_space<vmem>> -> memref<1x32xi32, #tpu.memory_space<vmem>>
        %dma_wait3A_112 = tpu.memref_squeeze %dma_wait3A_111 : memref<1x32xi32, #tpu.memory_space<vmem>> -> memref<32xi32, #tpu.memory_space<vmem>>
        %dma_wait3A_113 = arith.constant 0 : i32
        %dma_wait3A_114 = arith.constant 0 : i32
        %dma_wait3A_115 = tpu.memref_slice %arg3[%dma_wait3A_113, %dma_wait3A_114] : memref<32768x1024xf32, #tpu.memory_space<hbm>> -> memref<32768x1024xf32, #tpu.memory_space<hbm>>
        tpu.wait_indirect_dma semaphore(%arg11 : memref<!tpu.dma_semaphore, #tpu.memory_space<semaphore_mem>>) src(%dma_wait3A_115 : memref<32768x1024xf32, #tpu.memory_space<hbm>>) dst(%arg10 : memref<32x1024xf32, #tpu.memory_space<vmem>>)
        %dma_start3A_116 = arith.constant 0 : i32
        %dma_start3A_117 = tpu.memref_slice %arg9[%while3A_105, %dma_start3A_116] : memref<34x32xi32, #tpu.memory_space<vmem>> -> memref<1x32xi32, #tpu.memory_space<vmem>>
        %dma_start3A_118 = tpu.memref_squeeze %dma_start3A_117 : memref<1x32xi32, #tpu.memory_space<vmem>> -> memref<32xi32, #tpu.memory_space<vmem>>
        %dma_start3A_119 = arith.constant 0 : i32
        %dma_start3A_120 = arith.constant 0 : i32
        %dma_start3A_121 = tpu.memref_slice %arg5[%dma_start3A_119, %dma_start3A_120] : memref<32768x1024xf32, #tpu.memory_space<hbm>> -> memref<32768x1024xf32, #tpu.memory_space<hbm>>
        tpu.enqueue_indirect_dma source(%arg10 : memref<32x1024xf32, #tpu.memory_space<vmem>>) target(%dma_start3A_121 : memref<32768x1024xf32, #tpu.memory_space<hbm>>) offsets(%dma_start3A_118 : memref<32xi32, #tpu.memory_space<vmem>>) semaphore(%arg11 : memref<!tpu.dma_semaphore, #tpu.memory_space<semaphore_mem>>)
        %dma_wait3A_122 = arith.constant 0 : i32
        %dma_wait3A_123 = tpu.memref_slice %arg9[%while3A_105, %dma_wait3A_122] : memref<34x32xi32, #tpu.memory_space<vmem>> -> memref<1x32xi32, #tpu.memory_space<vmem>>
        %dma_wait3A_124 = tpu.memref_squeeze %dma_wait3A_123 : memref<1x32xi32, #tpu.memory_space<vmem>> -> memref<32xi32, #tpu.memory_space<vmem>>
        %dma_wait3A_125 = arith.constant 0 : i32
        %dma_wait3A_126 = arith.constant 0 : i32
        %dma_wait3A_127 = tpu.memref_slice %arg5[%dma_wait3A_125, %dma_wait3A_126] : memref<32768x1024xf32, #tpu.memory_space<hbm>> -> memref<32768x1024xf32, #tpu.memory_space<hbm>>
        tpu.wait_indirect_dma semaphore(%arg11 : memref<!tpu.dma_semaphore, #tpu.memory_space<semaphore_mem>>) src(%arg10 : memref<32x1024xf32, #tpu.memory_space<vmem>>) dst(%dma_wait3A_127 : memref<32768x1024xf32, #tpu.memory_space<hbm>>)
      }
    } else {
    }
    return
  }
}

</mosaic_0001>

<sc_bundles>
// kernel: kernel.3.cloned.1.call-start
scs
__scs_entry_jumppad:
0x0: {  	(pc) =	sbr.rel $0x88, $3  }
0x1: {  	(tag) =	ssettag $0x0;
	lr =	simm.s32 $0x1  }
0x2: {  	[smem:$0x3F9E] =	sst lr;
	_ =	strace $0xD0000000  }
0x3: {  	_ = 	snop  }
0x4: {  	_ = 	snop  }
0x5: {  	_ = 	snop  }
0x6: {  	_ = 	snop  }
0x7: {  	_ = 	snop  }
__scs_overlays_trampoline_lowered:
0x8: {  	[smem:$0x3FAD] =	sst s0  }
0x9: {  	[smem:$0x3FAE] =	sst s1  }
0xa: {  	[smem:$0x3FAF] =	sst s2  }
0xb: {  	[smem:$0x3FB0] =	sst s3  }
0xc: {  	[smem:$0x3FB1] =	sst s4  }
0xd: {  	[smem:$0x3FB2] =	sst s5  }
0xe: {  	[smem:$0x3FB3] =	sst s6  }
0xf: {  	[smem:$0x3FB4] =	sst s7  }
0x10: {  	[smem:$0x3FB5] =	sst s8  }
0x11: {  	[smem:$0x3FB6] =	sst s9;
	s0 =	simm.s32 @!p0 $0x0  }
0x12: {  	s1 =	sld [smem:$0x3F9C];
	s0 =	simm.s32 @p0 $0x1  }
0x13: {  	[smem:$0x3FB7] =	sst s0;
	s0 =	simm.s32 @!p1 $0x0  }
0x14: {  	s2 =	sld [smem:$0x3F9B];
	s0 =	simm.s32 @p1 $0x1  }
0x15: {  	[smem:$0x3FB8] =	sst s0;
	s0 =	simm.s32 @!p2 $0x0  }
0x16: {  	s3 =	sld [smem:$0x3FDB];
	s0 =	simm.s32 @p2 $0x1  }
0x17: {  	s4 =	simm.s32 $0x1BF5;
	[smem:$0x3FBA] =	sst s0  }
0x18: {  	s0 =	sld [smem:$0x3F9D];
	_ =	swait.ge [sflag:s4], $0x0  }
0x19: {  	s7 =	sld [smem:$0x3F9E]  }
0x1a: {  	s8 =	sadd.s32 $0xFFFFE003, lr  }
0x1b: {  	s9 =	sadd.s32 $0xFFFFFEF7, lr;
	s5 =	simm.s32 $0xFFFFFFFF;
	p2 =	slt.u32 s8, $0xFFFFF086  }
0x1c: {  	p1 =	slt.u32 s9, $0xF7A;
	s5 =	simm.s32 @!p2 $0x0  }
0x1d: {  	s5 =	simm.s32 @p1 $0x1;
	p0 =	seq.s32 s7, s2  }
0x1e: {  	s7 =	smul.u32 @!p0 $0xF7A, s2;
	p2 =	seq.s32 @!p0 s5, $0x0  }
0x1f: {  	s9 =	smul.u32 $0xF7A, s1;
	s8 =	simm.s32 @!p0 $0x1BF5;
	p2 =	por !p2, p0  }
0x20: {  	[sflag:s8] =	ssyncset.s32 @!p0 $0xFFFFF086;
	s6 =	sadd.s32 @!p0 s3, s7;
	s7 =	simm.s32 @!p0 $0x108  }
0x21: {  	s3 =	sadd.s32 s3, s9;
	s6 =	sadd.s32 @!p0 $0x88, s6;
	s7 =	simm.s32 @p2 $0x1082  }
0x22: {  	[simem:s7], [sflag:s8] =	dma.local @!p0 [hbm:s6], $0xF7A  }
0x23: {  	s9 =	sor.u32 $0xD0000000, s2;
	s6 =	simm.s32 $0x108;
	_ =	swait.ge @!p0 [sflag:s8], $0x0  }
0x24: {  	s3 =	sadd.s32 $0x88, s3;
	s6 =	simm.s32 @!p1 $0x1082;
	[sflag:s4] =	ssyncset.s32 $0xFFFFF086  }
0x25: {  	[simem:s6], [sflag:s4] =	dma.local [hbm:s3], $0xF7A  }
0x26: {  	[smem:$0x3F9E] =	sst s1;
	(tag) =	ssettag s2;
	_ =	strace s9  }
0x27: {  	s1 =	sld [smem:$0x3FAE]  }
0x28: {  	s2 =	sld [smem:$0x3FAF]  }
0x29: {  	s4 =	sld [smem:$0x3FB1]  }
0x2a: {  	p0 =	seq.s32 s5, $0x0;
	s5 =	sld [smem:$0x3FB2]  }
0x2b: {  	s6 =	sld [smem:$0x3FB3]  }
0x2c: {  	s7 =	sld [smem:$0x3FB4]  }
0x2d: {  	s3 =	simm.s32 $0x108;
	s8 =	sld [smem:$0x3FB5]  }
0x2e: {  	s3 =	simm.s32 @!p0 $0x1082;
	s9 =	sld [smem:$0x3FB6]  }
0x2f: {  	lr =	sadd.s32 s0, s3;
	s0 =	sld [smem:$0x3FAD]  }
0x30: {  	s3 =	sld [smem:$0x3FB0]  }
0x31: {  	[smem:$0x3FB9] =	sst s10  }
0x32: {  	s10 =	sld [smem:$0x3FB7];
	_ =	sdelay $0x3  }
0x33: {  	p0 =	seq.s32 s10, $0x1;
	s10 =	sld [smem:$0x3FB9];
	_ =	sdelay $0x3  }
0x34: {  	[smem:$0x3FB9] =	sst s10  }
0x35: {  	s10 =	sld [smem:$0x3FB8];
	_ =	sdelay $0x3  }
0x36: {  	p1 =	seq.s32 s10, $0x1;
	s10 =	sld [smem:$0x3FB9];
	_ =	sdelay $0x3  }
0x37: {  	[smem:$0x3FB9] =	sst s10  }
0x38: {  	s10 =	sld [smem:$0x3FBA]  }
0x39: {  	_ = 	snop;
	(pc) =	sbr.ind lr, $3  }
0x3a: {  	_ = 	snop  }
0x3b: {  	_ = 	snop  }
0x3c: {  	p2 =	seq.s32 s10, $0x1;
	s10 =	sld [smem:$0x3FB9]  }
0x3d: {  	_ =	shalt  }
0x3e: {  	_ =	shalt  }
0x3f: {  	_ =	shalt  }
0x40: {  	_ =	shalt  }
0x41: {  	_ =	shalt  }
0x42: {  	_ =	shalt  }
0x43: {  	_ =	shalt  }
0x44: {  	_ =	shalt  }
0x45: {  	_ =	shalt  }
0x46: {  	_ =	shalt  }
0x47: {  	_ =	shalt  }
0x48: {  	_ =	shalt  }
0x49: {  	_ =	shalt  }
0x4a: {  	_ =	shalt  }
0x4b: {  	_ =	shalt  }
0x4c: {  	_ =	shalt  }
0x4d: {  	_ =	shalt  }
0x4e: {  	_ =	shalt  }
0x4f: {  	_ =	shalt  }
0x50: {  	_ =	shalt  }
0x51: {  	_ =	shalt  }
0x52: {  	_ =	shalt  }
0x53: {  	_ =	shalt  }
0x54: {  	_ =	shalt  }
0x55: {  	_ =	shalt  }
0x56: {  	_ =	shalt  }
0x57: {  	_ =	shalt  }
0x58: {  	_ =	shalt  }
0x59: {  	_ =	shalt  }
0x5a: {  	_ =	shalt  }
0x5b: {  	_ =	shalt  }
0x5c: {  	_ =	shalt  }
0x5d: {  	_ =	shalt  }
0x5e: {  	_ =	shalt  }
0x5f: {  	_ =	shalt  }
0x60: {  	_ =	shalt  }
0x61: {  	_ =	shalt  }
0x62: {  	_ =	shalt  }
0x63: {  	_ =	shalt  }
0x64: {  	_ =	shalt  }
0x65: {  	_ =	shalt  }
0x66: {  	_ =	shalt  }
0x67: {  	_ =	shalt  }
0x68: {  	_ =	shalt  }
0x69: {  	_ =	shalt  }
0x6a: {  	_ =	shalt  }
0x6b: {  	_ =	shalt  }
0x6c: {  	_ =	shalt  }
0x6d: {  	_ =	shalt  }
0x6e: {  	_ =	shalt  }
0x6f: {  	_ =	shalt  }
0x70: {  	_ =	shalt  }
0x71: {  	_ =	shalt  }
0x72: {  	_ =	shalt  }
0x73: {  	_ =	shalt  }
0x74: {  	_ =	shalt  }
0x75: {  	_ =	shalt  }
0x76: {  	_ =	shalt  }
0x77: {  	_ =	shalt  }
0x78: {  	_ =	shalt  }
0x79: {  	_ =	shalt  }
0x7a: {  	_ =	shalt  }
0x7b: {  	_ =	shalt  }
0x7c: {  	_ =	shalt  }
0x7d: {  	_ =	shalt  }
0x7e: {  	_ =	shalt  }
0x7f: {  	_ =	shalt  }
0x80: {  	_ =	shalt  }
0x81: {  	_ =	shalt  }
0x82: {  	_ =	shalt  }
0x83: {  	_ =	shalt  }
0x84: {  	_ =	shalt  }
0x85: {  	_ =	shalt  }
0x86: {  	_ =	shalt  }
0x87: {  	_ =	shalt  }
.Lfunc_end0:
.L_simem_size_0:
called_computation_lowered:
.L_overlay_start_0:
0x88: {  	s2 =	sld [smem:$0x3FD9]  }
0x89: {  	s3 =	sld [smem:$0x3FFE];
	_ =	sdelay $0x1  }
0x8a: {  	s1 =	srdreg.scid  }
0x8b: {  	s0 =	sand.u32 $0x1, s1  }
0x8c: {  	s17 =	sshll.u32 s0, $0xA;
	s2 =	sadd.s32 s3, s2  }
0x8d: {  	s2 =	sadd.s32 s2, s17  }
0x8e: {  	[smem:$0x3FC5] =	sst s2  }
0x8f: {  	_ = 	snop  }
0x90: {  	s2 =	sld [smem:$0x3FC9]  }
0x91: {  	s18 =	sld [smem:$0x3FC7]  }
0x92: {  	s4 =	sld [smem:$0x3FD0];
	(tm) =	ssettm $0x1  }
0x93: {  	s5 =	sld [smem:$0x3FFB];
	_ =	sdelay $0x3  }
0x94: {  	_ =	strace s5  }
0x95: {  	s5 =	sld [smem:$0x3FFC];
	_ =	sdelay $0x3  }
0x96: {  	_ =	strace s5  }
0x97: {  	s5 =	sld [smem:$0x3FFD];
	_ =	sdelay $0x3  }
0x98: {  	_ =	strace s5  }
0x99: {  	_ =	strace $0x8FFFFFFF  }
0x9a: {  	s19 =	sld [smem:$0x3FDB];
	_ =	sdelay $0x1  }
0x9b: {  	s6 =	simm.s32 $_scs_section_size  }
0x9c: {  	s7 =	simm.s32 $_size__tile_overlayer_lowered;
	s8 =	simm.s32 $_tile_overlayer_lowered  }
0x9d: {  	s22 =	simm.s32 $0x1BFF;
	s21 =	sshll.u32 s8, $0x1;
	s5 =	sadd.s32 s6, s19  }
0x9e: {  	s9 =	simm.s32 $0x0;
	s20 =	sshll.u32 s7, $0x1;
	s7 =	sadd.s32 s21, s5  }
0x9f: {  	[timem:s9], [sflag:s22] =	dma.local [hbm:s7], s20  }
0xa0: {  	_ =	swait.ge [sflag:s22], s20  }
0xa1: {  	s6 =	ssub.s32 $0x0, s20;
	[sflag:s22] =	ssyncset.done $0x0  }
0xa2: {  	[sflag:s22] =	ssyncadd.s32 s6;
	_ =	sdelay $0x1  }
0xa3: {  	s23 =	simm.s32 $0x1B8B  }
0xa4: {  	_ =	swait.ge [sflag:s23], $0x1  }
0xa5: {  	[sflag:s23] =	ssyncset.done $0x0  }
0xa6: {  	s25 =	simm.s32 $0x1B8E;
	s24 =	sld [smem:$0x3FFE];
	[sflag:s23] =	ssyncadd.s32 $0xFFFFFFFF  }
0xa7: {  	s26 =	simm.s32 $execute0_lowered;
	[smem:$0x3FD2] =	sst s25  }
0xa8: {  	s7 =	sshll.u32 s26, $0x1;
	_ =	strace $0x80000046;
	[dreg:$0x1] =	wrdreg $0xFFFFFFFF  }
0xa9: {  	s28 =	simm.s32 $_size_execute0_lowered;
	s5 =	sadd.s32 s5, s7;
	[dreg:$0x0] =	wrdreg $0x0  }
0xaa: {  	s7 =	sshll.u32 s28, $0x1;
	[dreg:$0x2] =	wrdreg s5  }
0xab: {  	[dreg:$0x3] =	wrdreg s7  }
0xac: {  	[dreg:$0x4] =	wrdreg $0xC0  }
0xad: {  	_ =	task [dreg:s9], $0x5FFFF  }
0xae: {  	[dreg:$0x1] =	wrdreg $0xFFFFFFFF  }
0xaf: {  	[dreg:$0x0] =	wrdreg $0x60  }
0xb0: {  	[dreg:$0x2] =	wrdreg s24  }
0xb1: {  	[dreg:$0x3] =	wrdreg s2  }
0xb2: {  	[dreg:$0x4] =	wrdreg s18  }
0xb3: {  	[dreg:$0x5] =	wrdreg s4  }
0xb4: {  	[dreg:$0x6] =	wrdreg $0x9  }
0xb5: {  	_ =	task.clear_ibuf [dreg:s9], $0x7FFFF;
	_ =	strace $0x90000046  }
0xb6: {  	s29 =	simm.s32 $0x9;
	_ =	strace $0x80000048  }
0xb7: {  	_ =	swait.ge [sflag:s29], $0x1  }
0xb8: {  	[sflag:s29] =	ssyncadd.s32 $0xFFFFFFFF  }
0xb9: {  	_ =	strace $0x90000048  }
0xba: {  	_ =	sfence  }
0xbb: {  	s30 =	sld [smem:$0x0];
	_ =	sdelay $0x2  }
0xbc: {  	s31 =	sshll.u32 s1, $0xD;
	s1 =	sshrl.u32 s1, $0x2  }
0xbd: {  	s3 =	sand.u32 $0x4000, s31;
	s1 =	sadd.s32 s1, s30  }
0xbe: {  	s0 =	sor.u32 s3, s0;
	s1 =	sshll.u32 s1, $0x11  }
0xbf: {  	s0 =	sor.u32 s1, s0  }
0xc0: {  	s0 =	sadd.s32 $0x8F2B, s0  }
0xc1: {  	[sflag:s0] =	ssyncadd.remote.s32 $0x1  }
0xc2: {  	_ =	sfence.sel $0xFFFF  }
0xc3: {  	[dreg:$0x0] =	wrdreg $0xFFFFFFFF;
	(pc) =	sbr.abs _section_cstart, $3  }
0xc4: {  	[dreg:$0x1] =	wrdreg $0xFFFFFFFF  }
0xc5: {  	_ =	task.clear_ibuf [dreg:s9], $0x2FFFF;
	_ =	strace $0x9FFFFFFF  }
0xc6: {  	(tm) =	ssettm $0x7FFFFFFF  }
0xc7: {  	_ =	shalt  }
tec
execute0_lowered:
.L_overlay_start_1:
0x0: {  	(tag) =	ssettag $0x1  }
0x1: {  	s0 =	rddreg [dreg:$0x0]  }
0x2: {  	s5 =	rddreg [dreg:$0x1]  }
0x3: {  	s8 =	rddreg [dreg:$0x2]  }
0x4: {  	s1 =	srdreg.scid;
	s3 =	rddreg [dreg:$0x3];
	_ =	strace $0x80000047  }
0x5: {  	s15 =	stileid.u32;
	s18 =	simm.s32 $0x0;
	s20 =	simm.s32 $0x8000  }
0x6: {  	s21 =	simm.s32 $0x9400;
	s22 =	simm.s32 $0xA800;
	s23 =	simm.s32 $0x1  }
0x7: {  	s1 =	sand.u32 $0x1, s1;
	s0 =	sadd.s32 $0x400, s0;
	s26 =	sshll.u32 s15, $0x1  }
0x8: {  	s6 =	sadd.s32 $0x100, s8;
	s7 =	sadd.s32 $0x200, s8;
	s8 =	sadd.s32 $0x300, s8  }
0x9: {  	s9 =	sadd.s32 $0x100, s3;
	s10 =	sadd.s32 $0x200, s3;
	[dreg:$0x5] =	wrdreg s0  }
0xa: {  	s11 =	sadd.s32 $0x300, s3;
	s13 =	sadd.s32 $0x200, s5;
	[dreg:$0x8] =	wrdreg s6  }
0xb: {  	s14 =	sadd.s32 $0x300, s5;
	s28 =	sshll.u32 s15, $0x7;
	[dreg:$0x9] =	wrdreg s7  }
0xc: {  	s30 =	sshll.u32 s15, $0xB;
	s2 =	ssub.s32 $0x2, s1;
	[dreg:$0xa] =	wrdreg s8  }
0xd: {  	s29 =	sshll.u32 s1, $0x6;
	[dreg:$0xc] =	wrdreg s13;
	s4 =	sshrl.u32 s2, $0x1  }
.Ltmp0:
0xe: {  	[dreg:$0xd] =	wrdreg s14;
	s25 =	ssub.s32 s2, s4;
	(pc) =	sbr.rel .LBB2_1-.Ltmp0, $4  }
0xf: {  	s2 =	sor.u32 s1, s26;
	s26 =	sadd.s32 $0x100, s5;
	s4 =	sor.u32 s29, s28  }
0x10: {  	v0 =	vlaneseq.u32;
	s1 =	sshll.u32 s1, $0xA;
	s0 =	smax.u32 s25, $0x1;
	[dreg:$0xb] =	wrdreg s26  }
0x11: {  	vm0 =	vmmov $0xffff;
	v2 =	vshrl.u32 v0, $0x3;
	s31 =	smax.u32 s4, $0x1;
	s17 =	sor.u32 s1, s30;
	[dreg:$0x6] =	wrdreg s0  }
0x12: {  	v1 =	vand.u32 $0x7, v0;
	v3 =	vor.u32 $0x8, v0;
	v2 =	vmul.u32 $0x8, v2;
	p0 =	seq.s32 s2, $0x0;
	[dreg:$0x7] =	wrdreg s31;
	s0 =	simm.s32 $0x0  }
.LBB2_12:
0x13: {  	s0 =	rddreg [dreg:$0xe]  }
0x14: {  	s24 =	rddreg [dreg:$0x6];
	s0 =	sadd.s32 $0x1, s0  }
0x15: {  	p1 =	sne.s32 s0, s24  }
.Ltmp1:
0x16: {  	_ = 	snop;
	(pc) =	sbr.rel @!p1 .LBB2_13-.Ltmp1, $1  }
0x17: {  	_ =	sdelay $0x3  }
.LBB2_1:
.Ltmp2:
0x18: {  	s24 =	rddreg [dreg:$0x5];
	s31 =	simm.s32 $0x2;
	(pc) =	sbr.rel @p0 .LBB2_5-.Ltmp2, $4  }
0x19: {  	[tilespmem:s18], [sflag:$0x2] =	stream.linear.gather [hbm4b:s24+s18], $0x8000, $0x38;
	[tilespmem:$0x13C00] =	vst v63  }
0x1a: {  	_ =	swait.ge [sflag:s31], $0x8000  }
0x1b: {  	[sflag:s31] =	ssyncset.done $0x0  }
0x1c: {  	v5 =	vimm.s32 $0x0;
	v4 =	vimm.s32 $0x0;
	[sflag:s31] =	ssyncadd.s32 $0xFFFF8000  }
0x1d: {  	s24 =	rddreg [dreg:$0x7]  }
0x1e: {  	p1 =	sne.s32 s24, $0x1  }
.Ltmp3:
0x1f: {  	_ = 	snop;
	(pc) =	sbr.rel @!p1 .LBB2_4-.Ltmp3, $2  }
0x20: {  	_ =	sdelay $0x2  }
0x21: {  	v6 =	vld [tilespmem:s18+$0x0];
	v4 =	vimm.s32 $0x0;
	s25 =	simm.s32 $0x0;
	s24 =	sadd.s32 $0xFFFFFFFF, s24  }
.LBB2_3:
0x22: {  	p1 =	sne.s32 s24, $0x1  }
.Ltmp4:
0x23: {  	_ = 	snop;
	(pc) =	sbr.rel @p1 .LBB2_3-.Ltmp4, $3  }
0x24: {  	_ =	sdelay $0x1  }
0x25: {  	s24 =	sadd.s32 $0xFFFFFFFF, s24;
	s25 =	sadd.s32 $0x10, s25;
	v4 =	vadd.s32 v4, v6  }
0x26: {  	v6 =	vld [tilespmem:s25+$0x0]  }
.LBB2_4:
0x27: {  	_ =	sdelay $0x3  }
0x28: {  	v4 =	vadd.s32 v4, v6  }
.LBB2_5:
0x29: {  	s24 =	simm.s32 $0x0;
	s25 =	sadd.s32 $0x0, s17  }
0x2a: {  	s26 =	sand.u32 $0x7F80, s25;
	s24 =	sand.u32 $0x70, s24  }
0x2b: {  	s24 =	sor.u32 s24, s26  }
0x2c: {  	v9 =	vld [tilespmem:s24+$0x0];
	_ =	sdelay $0x3  }
0x2d: {  	(xrf0) =	vadd.scan.msk.s32 $0xffff, v4  }
0x2e: {  	(xrf0) =	vadd.scan.msk.s32 $0xffff, v9;
	_ =	sdelay $0x1  }
0x2f: {  	v4 =	vsub.s32 $0x1, v9  }
0x30: {  	(xrf0) =	vadd.scan.msk.s32 $0xffff, v4;
	_ =	sdelay $0x1  }
0x31: {  	v4, _, _ =	vpop (xrf0)  }
0x32: {  	v6, _, _ =	vpop (xrf0)  }
0x33: {  	v6 =	vadd.s32 v6, v5  }
0x34: {  	v6 =	vadd.s32 $0xFFFFFFFF, v6  }
0x35: {  	v8, _, _ =	vpop (xrf0);
	v7 =	vshll.u32 v6, $0x2  }
0x36: {  	v8 =	vadd.s32 v8, v5;
	v10 =	vand.u32 $0x1F, v6;
	v7 =	vand.u32 $0xFFFFFF80, v7  }
0x37: {  	vm2 =	vgt.s32 v9, $0x0;
	v10 =	vor.u32 v10, v7;
	v7 =	vadd.s32 $0xFFFFFFFF, v8  }
0x38: {  	v8 =	vshll.u32 v7, $0x2  }
0x39: {  	vm1 =	vle.s32 v9, $0x0;
	v7 =	vand.u32 $0x1F, v7;
	v8 =	vand.u32 $0xFFFFFF80, v8  }
0x3a: {  	v7 =	vor.u32 v7, v8  }
0x3b: {  	v11 =	vmpcnt.ones.xlane vm2;
	v4 =	vbroadcast v4, $0xF  }
0x3c: {  	v8 =	vor.u32 s25, v0  }
0x3d: {  	[dreg:$0xe] =	wrdreg s0;
	s31 =	simm.s32 $0x10;
	s24 =	sadd.s32 $0x10, s17;
	v12 =	vsub.s32 v5, v11;
	v13 =	vadd.s32 v4, v6;
	[tilespmem:v10+s20+$0x0] =	vst.idx.msk vm2, v8  }
0x3e: {  	s28 =	sand.u32 $0x70, s31;
	s26 =	sand.u32 $0x7F80, s24;
	v6 =	vadd.s32 v5, v11;
	v5 =	vadd.s32 $0x10, v12;
	s25 =	simm.s32 $0x20;
	[tilespmem:v10+s21+$0x0] =	vst.idx.msk vm2, v13  }
.LBB2_6:
0x3f: {  	p1 =	sne.s32 s25, $0x3F0;
	s26 =	sor.u32 s28, s26;
	[tilespmem:v7+s22+$0x0] =	vst.idx.msk vm1, v8  }
0x40: {  	v7 =	vld [tilespmem:s26+$0x0];
	_ =	sdelay $0x4  }
0x41: {  	(xrf0) =	vadd.scan.msk.s32 $0xffff, v7  }
0x42: {  	v8 =	vsub.s32 $0x1, v7  }
0x43: {  	(xrf0) =	vadd.scan.msk.s32 $0xffff, v8;
	_ =	sdelay $0x3  }
0x44: {  	v8, _, _ =	vpop (xrf0)  }
0x45: {  	v10 =	vadd.s32 v8, v6  }
0x46: {  	v9 =	vadd.s32 $0xFFFFFFFF, v10;
	v8, _, _ =	vpop (xrf0)  }
0x47: {  	vm2 =	vgt.s32 v7, $0x0;
	v8 =	vadd.s32 v8, v5;
	v10 =	vshll.u32 v9, $0x2  }
0x48: {  	v11 =	vand.u32 $0x1F, v9;
	v8 =	vadd.s32 $0xFFFFFFFF, v8;
	v10 =	vand.u32 $0xFFFFFF80, v10  }
0x49: {  	v12 =	vmpcnt.ones.xlane vm2;
	v10 =	vor.u32 v11, v10;
	v11 =	vshll.u32 v8, $0x2  }
0x4a: {  	vm1 =	vle.s32 v7, $0x0;
	v7 =	vand.u32 $0x1F, v8;
	v8 =	vand.u32 $0xFFFFFF80, v11  }
.Ltmp5:
0x4b: {  	v6 =	vadd.s32 v6, v12;
	v5 =	vsub.s32 v5, v12;
	v7 =	vor.u32 v7, v8;
	(pc) =	sbr.rel @p1 .LBB2_6-.Ltmp5, $4  }
0x4c: {  	v5 =	vadd.s32 $0x10, v5  }
0x4d: {  	v8 =	vor.u32 s24, v0  }
0x4e: {  	v9 =	vadd.s32 v4, v9;
	s24 =	sadd.s32 s25, s17;
	[tilespmem:v10+s20+$0x0] =	vst.idx.msk vm2, v8  }
0x4f: {  	s28 =	sand.u32 $0x70, s25;
	s25 =	sadd.s32 $0x10, s25;
	s26 =	sand.u32 $0x7F80, s24;
	[tilespmem:v10+s21+$0x0] =	vst.idx.msk vm2, v9  }
0x50: {  	_ =	sdelay $0x4  }
0x51: {  	s25 =	sor.u32 s28, s26;
	[tilespmem:v7+s22+$0x0] =	vst.idx.msk vm1, v8  }
0x52: {  	v7 =	vld [tilespmem:s25+$0x0];
	_ =	sdelay $0x4  }
0x53: {  	vm1 =	vgt.s32 v7, $0x0  }
0x54: {  	v52 =	vmpcnt.ones.xlane vm1;
	_ =	sdelay $0x1  }
0x55: {  	(xrf0) =	vadd.scan.msk.s32 $0xffff, v7;
	v9 =	vsub.s32 $0x1, v7;
	v10 =	vadd.s32 v6, v52  }
0x56: {  	(xrf0) =	vadd.scan.msk.s32 $0xffff, v9;
	v53 =	vxor.u32 $0x80000000, v10  }
0x57: {  	(xrf0) =	vmax.scan.msk.u32 $0xffff, v53;
	_ =	sdelay $0x3  }
0x58: {  	v54, _, _ =	vpop (xrf0)  }
0x59: {  	v55, _, _ =	vpop (xrf0)  }
0x5a: {  	v11, _, _ =	vpop (xrf0)  }
0x5b: {  	(v2sf) =	vpush v11, $0xF;
	_ =	sdelay $0xe  }
0x5c: {  	v56 =	vadd.s32 v54, v6;
	s25 =	spop (v2sf)  }
0x5d: {  	vm2 =	vle.s32 v7, $0x0;
	v6 =	vadd.s32 $0xFFFFFFFF, v56;
	s0 =	sxor.u32 $0x80000000, s25  }
0x5e: {  	v8 =	vsub.s32 v5, v52;
	v5 =	vadd.s32 v55, v5;
	v57 =	vshll.u32 v6, $0x2;
	p1 =	slt.s32 s0, $0x1  }
0x5f: {  	v5 =	vadd.s32 $0xFFFFFFFF, v5;
	v58 =	vand.u32 $0x1F, v6;
	v9 =	vand.u32 $0xFFFFFF80, v57;
	s28 =	sadd.s32 @!p1 $0x7FFFFFFF, s25  }
0x60: {  	v8 =	vadd.s32 $0x10, v8;
	v60 =	vshll.u32 v5, $0x2;
	v59 =	vor.u32 v58, v9;
	s26 =	sshll.u32 @!p1 s28, $0x2  }
0x61: {  	v8 =	vxor.u32 $0x80000000, v8;
	v5 =	vand.u32 $0x1F, v5;
	v61 =	vand.u32 $0xFFFFFF80, v60;
	s28 =	sand.u32 @!p1 $0x1F, s28;
	s26 =	sand.u32 @!p1 $0xFFFFFF80, s26  }
0x62: {  	(xrf0) =	vmax.scan.msk.u32 $0xffff, v8;
	v5 =	vor.u32 v5, v61;
	s26 =	sor.u32 @!p1 s28, s26  }
0x63: {  	v7 =	vmov @!p1 s26  }
0x64: {  	v62 =	vor.u32 s24, v0;
	v10 =	vlaneseq.u32 @!p1  }
0x65: {  	v4 =	vadd.s32 v4, v6;
	[tilespmem:v59+s20+$0x0] =	vst.idx.msk vm1, v62;
	s24 =	sadd.s32 @!p1 $0x80000010, s25;
	v11 =	vadd.s32 @!p1 s0, v10  }
0x66: {  	[tilespmem:v59+s21+$0x0] =	vst.idx.msk vm1, v4;
	v6 =	vadd.s32 @!p1 s24, v10;
	v4 =	vshll.u32 @!p1 v11, $0x2  }
0x67: {  	[tilespmem:v5+s22+$0x0] =	vst.idx.msk vm2, v62;
	s24 =	simm.s32 @!p1 $0x8000;
	v5 =	vand.u32 @!p1 $0x1F, v11;
	v8 =	vshll.u32 @!p1 v6, $0x2;
	v4 =	vand.u32 @!p1 $0xFFFFFF80, v4  }
0x68: {  	v63, _, _ =	vpop (xrf0);
	v4 =	vor.u32 @!p1 v5, v4;
	v5 =	vand.u32 @!p1 $0x1F, v6;
	v6 =	vand.u32 @!p1 $0xFFFFFF80, v8;
	v9 =	vld.idx.msk @!p1 [tilespmem:v7+s24+$0x0], $0xffff  }
0x69: {  	(v2sf) =	vpush v63, $0xF;
	v5 =	vor.u32 @!p1 v5, v6;
	_ =	sdelay $0x1  }
0x6a: {  	s25 =	sadd.s32 @!p1 $0x8000001F, s25  }
0x6b: {  	s26 =	sand.u32 @!p1 $0x1F, s25  }
0x6c: {  	p2 =	slt.s32 @!p1 s25, $0x1;
	p3 =	sne.s32 @!p1 s26, $0x0;
	[tilespmem:v4+s24+$0x0] =	vst.idx.msk @!p1 $0xffff, v9  }
0x6d: {  	p2 =	por @!p1 !p2, !p3;
	[tilespmem:v5+s24+$0x0] =	vst.idx.msk @!p1 $0xffff, v9;
	s24 =	sshra.s32 @!p1 s25, $0x1F  }
0x6e: {  	p2 =	por @!p1 !p2, !p2;
	s24 =	sshrl.u32 @!p1 s24, $0x1B  }
0x6f: {  	p2 =	por !p2, p1;
	s24 =	sadd.s32 @!p1 s24, s25;
	s25 =	simm.s32 @!p1 $0x1  }
0x70: {  	s30 =	simm.s32 $0xBC00;
	s24 =	sshra.s32 @!p1 s24, $0x5;
	s25 =	simm.s32 @p2 $0x0  }
0x71: {  	s31 =	simm.s32 $0xC400;
	s26 =	simm.s32 @!p1 $0x9400;
	s24 =	ssub.s32 @!p1 s24, s25  }
0x72: {  	s4 =	simm.s32 $0xDC00;
	s5 =	simm.s32 $0xE400;
	v6 =	vld.idx.msk @!p1 [tilespmem:v7+s26+$0x0], $0xffff;
	p2 =	slt.s32 @!p1 s24, $0x1  }
0x73: {  	s15 =	simm.s32 $0xEC00;
	s3 =	rddreg [dreg:$0x3];
	p2 =	por p1, p2  }
.Ltmp6:
0x74: {  	s16 =	simm.s32 $0xF400;
	s7 =	rddreg [dreg:$0x8];
	(pc) =	sbr.rel @p2 .LBB2_10-.Ltmp6, $4  }
0x75: {  	s19 =	simm.s32 $0xFC00;
	s1 =	simm.s32 $0x10400;
	s8 =	rddreg [dreg:$0x9]  }
0x76: {  	s2 =	simm.s32 $0x10C00;
	s6 =	simm.s32 $0x11400;
	s12 =	rddreg [dreg:$0xa]  }
0x77: {  	s13 =	simm.s32 $0x11C00;
	s28 =	rddreg [dreg:$0x2];
	s25 =	spop (v2sf);
	[tilespmem:v4+s26+$0x0] =	vst.idx.msk @!p1 $0xffff, v6  }
0x78: {  	s14 =	simm.s32 $0x12400;
	s29 =	simm.s32 $0x12C00;
	[dreg:$0xf] =	wrdreg s25;
	[tilespmem:v5+s26+$0x0] =	vst.idx.msk @!p1 $0xffff, v6  }
0x79: {  	s25 =	simm.s32 @!p1 $0x9410;
	s26 =	simm.s32 @!p1 $0x8010  }
.LBB2_9:
0x7a: {  	v4 =	vld [tilespmem:s25+$0xFFFFFFF0];
	_ =	sdelay $0x4  }
0x7b: {  	v5 =	vshll.u32 v4, $0x3  }
0x7c: {  	v4 =	vand.u32 $0x7, v4;
	v5 =	vand.u32 $0xFFFFFFC0, v5  }
0x7d: {  	v4 =	vor.u32 v4, v5  }
0x7e: {  	v5 =	vperm.xlane v4, v1;
	_ =	sdelay $0x1  }
0x7f: {  	v5 =	vadd.s32 v2, v5;
	_ =	sdelay $0x4  }
0x80: {  	[tilespmem:s30], [sflag:$0x1] =	stream.indirect_vreg.gather [hbm4b:s28+s18], $0x80, v5, vm0, $0xb8;
	[tilespmem:$0x13C00] =	vst v63  }
0x81: {  	v4 =	vperm.xlane v4, v3  }
0x82: {  	[tilespmem:s31], [sflag:$0x1] =	stream.indirect_vreg.gather [hbm4b:s7+s18], $0x80, v5, vm0, $0xb8;
	[tilespmem:$0x13C00] =	vst v63  }
0x83: {  	s0 =	simm.s32 $0xCC00;
	v4 =	vadd.s32 v2, v4  }
0x84: {  	[tilespmem:s0], [sflag:$0x1] =	stream.indirect_vreg.gather [hbm4b:s8+s18], $0x80, v5, vm0, $0xb8;
	[tilespmem:$0x13C00] =	vst v63  }
0x85: {  	s30 =	simm.s32 $0xD400  }
0x86: {  	[tilespmem:s30], [sflag:$0x1] =	stream.indirect_vreg.gather [hbm4b:s12+s18], $0x80, v5, vm0, $0xb8;
	[tilespmem:$0x13C00] =	vst v63  }
0x87: {  	_ = 	snop  }
0x88: {  	[tilespmem:s4], [sflag:$0x1] =	stream.indirect_vreg.gather [hbm4b:s28+s18], $0x80, v4, vm0, $0xb8;
	[tilespmem:$0x13C00] =	vst v63  }
0x89: {  	_ = 	snop  }
0x8a: {  	[tilespmem:s5], [sflag:$0x1] =	stream.indirect_vreg.gather [hbm4b:s7+s18], $0x80, v4, vm0, $0xb8;
	[tilespmem:$0x13C00] =	vst v63  }
0x8b: {  	_ = 	snop  }
0x8c: {  	[tilespmem:s15], [sflag:$0x1] =	stream.indirect_vreg.gather [hbm4b:s8+s18], $0x80, v4, vm0, $0xb8;
	[tilespmem:$0x13C00] =	vst v63  }
0x8d: {  	_ = 	snop  }
0x8e: {  	[tilespmem:s16], [sflag:$0x1] =	stream.indirect_vreg.gather [hbm4b:s12+s18], $0x80, v4, vm0, $0xb8;
	[tilespmem:$0x13C00] =	vst v63  }
0x8f: {  	v4 =	vld [tilespmem:s25+$0x0];
	_ =	sdelay $0x4  }
0x90: {  	v5 =	vshll.u32 v4, $0x3  }
0x91: {  	v4 =	vand.u32 $0x7, v4;
	v5 =	vand.u32 $0xFFFFFFC0, v5  }
0x92: {  	v4 =	vor.u32 v4, v5  }
0x93: {  	v5 =	vperm.xlane v4, v1;
	_ =	sdelay $0x1  }
0x94: {  	v5 =	vadd.s32 v2, v5;
	_ =	sdelay $0x4  }
0x95: {  	[tilespmem:s19], [sflag:$0x1] =	stream.indirect_vreg.gather [hbm4b:s28+s18], $0x80, v5, vm0, $0xb8;
	[tilespmem:$0x13C00] =	vst v63  }
0x96: {  	v4 =	vperm.xlane v4, v3  }
0x97: {  	[tilespmem:s1], [sflag:$0x1] =	stream.indirect_vreg.gather [hbm4b:s7+s18], $0x80, v5, vm0, $0xb8;
	[tilespmem:$0x13C00] =	vst v63  }
0x98: {  	v4 =	vadd.s32 v2, v4  }
0x99: {  	[tilespmem:s2], [sflag:$0x1] =	stream.indirect_vreg.gather [hbm4b:s8+s18], $0x80, v5, vm0, $0xb8;
	[tilespmem:$0x13C00] =	vst v63  }
0x9a: {  	_ = 	snop  }
0x9b: {  	[tilespmem:s6], [sflag:$0x1] =	stream.indirect_vreg.gather [hbm4b:s12+s18], $0x80, v5, vm0, $0xb8;
	[tilespmem:$0x13C00] =	vst v63  }
0x9c: {  	_ = 	snop  }
0x9d: {  	[tilespmem:s13], [sflag:$0x1] =	stream.indirect_vreg.gather [hbm4b:s28+s18], $0x80, v4, vm0, $0xb8;
	[tilespmem:$0x13C00] =	vst v63  }
0x9e: {  	_ = 	snop  }
0x9f: {  	[tilespmem:s14], [sflag:$0x1] =	stream.indirect_vreg.gather [hbm4b:s7+s18], $0x80, v4, vm0, $0xb8;
	[tilespmem:$0x13C00] =	vst v63  }
0xa0: {  	_ = 	snop  }
0xa1: {  	[tilespmem:s29], [sflag:$0x1] =	stream.indirect_vreg.gather [hbm4b:s8+s18], $0x80, v4, vm0, $0xb8;
	[tilespmem:$0x13C00] =	vst v63  }
0xa2: {  	s30 =	simm.s32 $0x13400  }
0xa3: {  	[tilespmem:s30], [sflag:$0x1] =	stream.indirect_vreg.gather [hbm4b:s12+s18], $0x80, v4, vm0, $0xb8;
	[tilespmem:$0x13C00] =	vst v63  }
0xa4: {  	_ =	swait.ge [sflag:s23], $0x8000  }
0xa5: {  	[sflag:s23] =	ssyncset.done $0x0  }
0xa6: {  	[sflag:s23] =	ssyncadd.s32 $0xFFFF8000  }
0xa7: {  	v4 =	vld [tilespmem:s26+$0xFFFFFFF0];
	_ =	sdelay $0x4  }
0xa8: {  	v5 =	vshll.u32 v4, $0x3  }
0xa9: {  	v4 =	vand.u32 $0x7, v4;
	v5 =	vand.u32 $0xFFFFFFC0, v5  }
0xaa: {  	v4 =	vor.u32 v4, v5  }
0xab: {  	v5 =	vperm.xlane v4, v1;
	_ =	sdelay $0x1  }
0xac: {  	v5 =	vadd.s32 v2, v5;
	_ =	sdelay $0x3  }
0xad: {  	s31 =	simm.s32 $0xBC00  }
0xae: {  	[hbm4b:s3+s18] =	stream.indirect_vreg.scatter [tilespmem:s31], [sflag:$0x1], $0x80, v5, vm0, $0xb8;
	[tilespmem:$0x13C00] =	vst v63  }
0xaf: {  	v4 =	vperm.xlane v4, v3;
	s31 =	simm.s32 $0xC400  }
0xb0: {  	[hbm4b:s9+s18] =	stream.indirect_vreg.scatter [tilespmem:s31], [sflag:$0x1], $0x80, v5, vm0, $0xb8;
	[tilespmem:$0x13C00] =	vst v63  }
0xb1: {  	v4 =	vadd.s32 v2, v4  }
0xb2: {  	[hbm4b:s10+s18] =	stream.indirect_vreg.scatter [tilespmem:s0], [sflag:$0x1], $0x80, v5, vm0, $0xb8;
	[tilespmem:$0x13C00] =	vst v63  }
0xb3: {  	s0 =	simm.s32 $0xD400  }
0xb4: {  	[hbm4b:s11+s18] =	stream.indirect_vreg.scatter [tilespmem:s0], [sflag:$0x1], $0x80, v5, vm0, $0xb8;
	[tilespmem:$0x13C00] =	vst v63  }
0xb5: {  	_ = 	snop  }
0xb6: {  	[hbm4b:s3+s18] =	stream.indirect_vreg.scatter [tilespmem:s4], [sflag:$0x1], $0x80, v4, vm0, $0xb8;
	[tilespmem:$0x13C00] =	vst v63  }
0xb7: {  	_ = 	snop  }
0xb8: {  	[hbm4b:s9+s18] =	stream.indirect_vreg.scatter [tilespmem:s5], [sflag:$0x1], $0x80, v4, vm0, $0xb8;
	[tilespmem:$0x13C00] =	vst v63  }
0xb9: {  	_ = 	snop  }
0xba: {  	[hbm4b:s10+s18] =	stream.indirect_vreg.scatter [tilespmem:s15], [sflag:$0x1], $0x80, v4, vm0, $0xb8;
	[tilespmem:$0x13C00] =	vst v63  }
0xbb: {  	_ = 	snop  }
0xbc: {  	[hbm4b:s11+s18] =	stream.indirect_vreg.scatter [tilespmem:s16], [sflag:$0x1], $0x80, v4, vm0, $0xb8;
	[tilespmem:$0x13C00] =	vst v63  }
0xbd: {  	v4 =	vld [tilespmem:s26+$0x0];
	_ =	sdelay $0x4  }
0xbe: {  	v5 =	vshll.u32 v4, $0x3  }
0xbf: {  	v4 =	vand.u32 $0x7, v4;
	v5 =	vand.u32 $0xFFFFFFC0, v5  }
0xc0: {  	v4 =	vor.u32 v4, v5  }
0xc1: {  	v5 =	vperm.xlane v4, v1;
	_ =	sdelay $0x1  }
0xc2: {  	v5 =	vadd.s32 v2, v5;
	_ =	sdelay $0x4  }
0xc3: {  	[hbm4b:s3+s18] =	stream.indirect_vreg.scatter [tilespmem:s19], [sflag:$0x1], $0x80, v5, vm0, $0xb8;
	[tilespmem:$0x13C00] =	vst v63  }
0xc4: {  	v4 =	vperm.xlane v4, v3  }
0xc5: {  	[hbm4b:s9+s18] =	stream.indirect_vreg.scatter [tilespmem:s1], [sflag:$0x1], $0x80, v5, vm0, $0xb8;
	[tilespmem:$0x13C00] =	vst v63  }
0xc6: {  	v4 =	vadd.s32 v2, v4  }
0xc7: {  	[hbm4b:s10+s18] =	stream.indirect_vreg.scatter [tilespmem:s2], [sflag:$0x1], $0x80, v5, vm0, $0xb8;
	[tilespmem:$0x13C00] =	vst v63  }
0xc8: {  	_ = 	snop  }
0xc9: {  	[hbm4b:s11+s18] =	stream.indirect_vreg.scatter [tilespmem:s6], [sflag:$0x1], $0x80, v5, vm0, $0xb8;
	[tilespmem:$0x13C00] =	vst v63  }
0xca: {  	_ = 	snop  }
0xcb: {  	[hbm4b:s3+s18] =	stream.indirect_vreg.scatter [tilespmem:s13], [sflag:$0x1], $0x80, v4, vm0, $0xb8;
	[tilespmem:$0x13C00] =	vst v63  }
0xcc: {  	_ = 	snop  }
0xcd: {  	[hbm4b:s9+s18] =	stream.indirect_vreg.scatter [tilespmem:s14], [sflag:$0x1], $0x80, v4, vm0, $0xb8;
	[tilespmem:$0x13C00] =	vst v63  }
0xce: {  	p1 =	sne.s32 s24, $0x1  }
0xcf: {  	[hbm4b:s10+s18] =	stream.indirect_vreg.scatter [tilespmem:s29], [sflag:$0x1], $0x80, v4, vm0, $0xb8;
	[tilespmem:$0x13C00] =	vst v63  }
.Ltmp7:
0xd0: {  	_ = 	snop;
	(pc) =	sbr.rel @p1 .LBB2_9-.Ltmp7, $4  }
0xd1: {  	[hbm4b:s11+s18] =	stream.indirect_vreg.scatter [tilespmem:s30], [sflag:$0x1], $0x80, v4, vm0, $0xb8;
	[tilespmem:$0x13C00] =	vst v63  }
0xd2: {  	_ =	swait.ge [sflag:s23], $0x8000  }
0xd3: {  	s24 =	sadd.s32 $0xFFFFFFFF, s24;
	s25 =	sadd.s32 $0x80, s25;
	[sflag:s23] =	ssyncset.done $0x0  }
0xd4: {  	s26 =	sadd.s32 $0x80, s26;
	s30 =	simm.s32 $0xBC00;
	[sflag:s23] =	ssyncadd.s32 $0xFFFF8000  }
.LBB2_10:
0xd5: {  	s0 =	rddreg [dreg:$0xf]  }
0xd6: {  	s24 =	sxor.u32 $0x80000000, s0  }
0xd7: {  	p1 =	slt.s32 s24, $0x1  }
0xd8: {  	s25 =	sadd.s32 @!p1 $0x7FFFFFFF, s0  }
0xd9: {  	s26 =	sshll.u32 @!p1 s25, $0x2  }
0xda: {  	s25 =	sand.u32 @!p1 $0x1F, s25;
	s26 =	sand.u32 @!p1 $0xFFFFFF80, s26  }
0xdb: {  	s25 =	sor.u32 @!p1 s25, s26  }
0xdc: {  	v4 =	vmov @!p1 s25;
	s25 =	sadd.s32 @!p1 $0x8000001F, s0  }
0xdd: {  	v5 =	vlaneseq.u32 @!p1;
	s26 =	sand.u32 @!p1 $0x1F, s25  }
0xde: {  	v6 =	vadd.s32 @!p1 s24, v5;
	s24 =	sadd.s32 @!p1 $0x80000010, s0;
	p2 =	slt.s32 @!p1 s25, $0x1;
	p3 =	sne.s32 @!p1 s26, $0x0  }
0xdf: {  	v5 =	vadd.s32 @!p1 s24, v5;
	s24 =	sshra.s32 @!p1 s25, $0x1F;
	p2 =	por @!p1 !p2, !p3  }
0xe0: {  	s24 =	sshrl.u32 @!p1 s24, $0x1B;
	p2 =	por @!p1 !p2, !p2  }
0xe1: {  	s24 =	sadd.s32 @!p1 s24, s25;
	s25 =	simm.s32 @!p1 $0x1;
	p2 =	por !p2, p1  }
0xe2: {  	v7 =	vshll.u32 @!p1 v6, $0x2;
	s24 =	sshra.s32 @!p1 s24, $0x5;
	s25 =	simm.s32 @p2 $0x0  }
0xe3: {  	v6 =	vand.u32 @!p1 $0x1F, v6;
	v7 =	vand.u32 @!p1 $0xFFFFFF80, v7;
	v8 =	vshll.u32 @!p1 v5, $0x2;
	s26 =	simm.s32 @!p1 $0xA800;
	s24 =	ssub.s32 @!p1 s24, s25  }
0xe4: {  	v5 =	vand.u32 @!p1 $0x1F, v5;
	v6 =	vor.u32 @!p1 v6, v7;
	v7 =	vand.u32 @!p1 $0xFFFFFF80, v8;
	v4 =	vld.idx.msk @!p1 [tilespmem:v4+s26+$0x0], $0xffff;
	p2 =	slt.s32 @!p1 s24, $0x1  }
0xe5: {  	v5 =	vor.u32 @!p1 v5, v7;
	p2 =	por p1, p2  }
.Ltmp8:
0xe6: {  	_ = 	snop;
	(pc) =	sbr.rel @p2 .LBB2_12-.Ltmp8, $4  }
0xe7: {  	_ = 	snop  }
0xe8: {  	s13 =	rddreg [dreg:$0xc]  }
0xe9: {  	s14 =	rddreg [dreg:$0xd];
	[tilespmem:v6+s26+$0x0] =	vst.idx.msk @!p1 $0xffff, v4  }
0xea: {  	s25 =	simm.s32 @!p1 $0xA810;
	[tilespmem:v5+s26+$0x0] =	vst.idx.msk @!p1 $0xffff, v4;
	s26 =	rddreg [dreg:$0xb]  }
.LBB2_11:
0xeb: {  	v4 =	vld [tilespmem:s25+$0xFFFFFFF0];
	_ =	sdelay $0x4  }
0xec: {  	v5 =	vshll.u32 v4, $0x3  }
0xed: {  	v4 =	vand.u32 $0x7, v4;
	v5 =	vand.u32 $0xFFFFFFC0, v5  }
0xee: {  	v4 =	vor.u32 v4, v5  }
0xef: {  	v5 =	vperm.xlane v4, v1;
	_ =	sdelay $0x1  }
0xf0: {  	v5 =	vadd.s32 v2, v5;
	_ =	sdelay $0x3  }
0xf1: {  	s29 =	simm.s32 $0xBC00;
	s12 =	rddreg [dreg:$0x1]  }
0xf2: {  	[tilespmem:s29], [sflag:$0x1] =	stream.indirect_vreg.gather [hbm4b:s12+s18], $0x80, v5, vm0, $0xb8;
	[tilespmem:$0x13C00] =	vst v63  }
0xf3: {  	s30 =	simm.s32 $0xC400;
	v4 =	vperm.xlane v4, v3  }
0xf4: {  	[tilespmem:s30], [sflag:$0x1] =	stream.indirect_vreg.gather [hbm4b:s26+s18], $0x80, v5, vm0, $0xb8;
	[tilespmem:$0x13C00] =	vst v63  }
0xf5: {  	s0 =	simm.s32 $0xCC00;
	v4 =	vadd.s32 v2, v4  }
0xf6: {  	[tilespmem:s0], [sflag:$0x1] =	stream.indirect_vreg.gather [hbm4b:s13+s18], $0x80, v5, vm0, $0xb8;
	[tilespmem:$0x13C00] =	vst v63  }
0xf7: {  	s4 =	simm.s32 $0xD400  }
0xf8: {  	[tilespmem:s4], [sflag:$0x1] =	stream.indirect_vreg.gather [hbm4b:s14+s18], $0x80, v5, vm0, $0xb8;
	[tilespmem:$0x13C00] =	vst v63  }
0xf9: {  	s5 =	simm.s32 $0xDC00  }
0xfa: {  	[tilespmem:s5], [sflag:$0x1] =	stream.indirect_vreg.gather [hbm4b:s12+s18], $0x80, v4, vm0, $0xb8;
	[tilespmem:$0x13C00] =	vst v63  }
0xfb: {  	s15 =	simm.s32 $0xE400  }
0xfc: {  	[tilespmem:s15], [sflag:$0x1] =	stream.indirect_vreg.gather [hbm4b:s26+s18], $0x80, v4, vm0, $0xb8;
	[tilespmem:$0x13C00] =	vst v63  }
0xfd: {  	s16 =	simm.s32 $0xEC00  }
0xfe: {  	[tilespmem:s16], [sflag:$0x1] =	stream.indirect_vreg.gather [hbm4b:s13+s18], $0x80, v4, vm0, $0xb8;
	[tilespmem:$0x13C00] =	vst v63  }
0xff: {  	s19 =	simm.s32 $0xF400  }
0x100: {  	[tilespmem:s19], [sflag:$0x1] =	stream.indirect_vreg.gather [hbm4b:s14+s18], $0x80, v4, vm0, $0xb8;
	[tilespmem:$0x13C00] =	vst v63  }
0x101: {  	v4 =	vld [tilespmem:s25+$0x0];
	_ =	sdelay $0x4  }
0x102: {  	v5 =	vshll.u32 v4, $0x3  }
0x103: {  	v4 =	vand.u32 $0x7, v4;
	v5 =	vand.u32 $0xFFFFFFC0, v5  }
0x104: {  	v4 =	vor.u32 v4, v5  }
0x105: {  	v5 =	vperm.xlane v4, v1;
	_ =	sdelay $0x1  }
0x106: {  	v5 =	vadd.s32 v2, v5;
	_ =	sdelay $0x3  }
0x107: {  	s1 =	simm.s32 $0xFC00  }
0x108: {  	[tilespmem:s1], [sflag:$0x1] =	stream.indirect_vreg.gather [hbm4b:s12+s18], $0x80, v5, vm0, $0xb8;
	[tilespmem:$0x13C00] =	vst v63  }
0x109: {  	s2 =	simm.s32 $0x10400;
	v4 =	vperm.xlane v4, v3  }
0x10a: {  	[tilespmem:s2], [sflag:$0x1] =	stream.indirect_vreg.gather [hbm4b:s26+s18], $0x80, v5, vm0, $0xb8;
	[tilespmem:$0x13C00] =	vst v63  }
0x10b: {  	s6 =	simm.s32 $0x10C00;
	v4 =	vadd.s32 v2, v4  }
0x10c: {  	[tilespmem:s6], [sflag:$0x1] =	stream.indirect_vreg.gather [hbm4b:s13+s18], $0x80, v5, vm0, $0xb8;
	[tilespmem:$0x13C00] =	vst v63  }
0x10d: {  	s7 =	simm.s32 $0x11400  }
0x10e: {  	[tilespmem:s7], [sflag:$0x1] =	stream.indirect_vreg.gather [hbm4b:s14+s18], $0x80, v5, vm0, $0xb8;
	[tilespmem:$0x13C00] =	vst v63  }
0x10f: {  	s8 =	simm.s32 $0x11C00  }
0x110: {  	[tilespmem:s8], [sflag:$0x1] =	stream.indirect_vreg.gather [hbm4b:s12+s18], $0x80, v4, vm0, $0xb8;
	[tilespmem:$0x13C00] =	vst v63  }
0x111: {  	s31 =	simm.s32 $0x12400  }
0x112: {  	[tilespmem:s31], [sflag:$0x1] =	stream.indirect_vreg.gather [hbm4b:s26+s18], $0x80, v4, vm0, $0xb8;
	[tilespmem:$0x13C00] =	vst v63  }
0x113: {  	s23 =	simm.s32 $0x12C00  }
0x114: {  	[tilespmem:s23], [sflag:$0x1] =	stream.indirect_vreg.gather [hbm4b:s13+s18], $0x80, v4, vm0, $0xb8;
	[tilespmem:$0x13C00] =	vst v63  }
0x115: {  	s28 =	simm.s32 $0x13400;
	s12 =	simm.s32 $0x1  }
0x116: {  	[tilespmem:s28], [sflag:$0x1] =	stream.indirect_vreg.gather [hbm4b:s14+s18], $0x80, v4, vm0, $0xb8;
	[tilespmem:$0x13C00] =	vst v63  }
0x117: {  	_ =	swait.ge [sflag:s12], $0x8000  }
0x118: {  	[sflag:s12] =	ssyncset.done $0x0  }
0x119: {  	[sflag:s12] =	ssyncadd.s32 $0xFFFF8000  }
0x11a: {  	v4 =	vld [tilespmem:s25+$0xFFFFFFF0];
	_ =	sdelay $0x4  }
0x11b: {  	v5 =	vshll.u32 v4, $0x3  }
0x11c: {  	v4 =	vand.u32 $0x7, v4;
	v5 =	vand.u32 $0xFFFFFFC0, v5  }
0x11d: {  	v4 =	vor.u32 v4, v5  }
0x11e: {  	v5 =	vperm.xlane v4, v1;
	_ =	sdelay $0x1  }
0x11f: {  	v5 =	vadd.s32 v2, v5;
	_ =	sdelay $0x4  }
0x120: {  	[hbm4b:s3+s18] =	stream.indirect_vreg.scatter [tilespmem:s29], [sflag:$0x1], $0x80, v5, vm0, $0xb8;
	[tilespmem:$0x13C00] =	vst v63  }
0x121: {  	v4 =	vperm.xlane v4, v3  }
0x122: {  	[hbm4b:s9+s18] =	stream.indirect_vreg.scatter [tilespmem:s30], [sflag:$0x1], $0x80, v5, vm0, $0xb8;
	[tilespmem:$0x13C00] =	vst v63  }
0x123: {  	v4 =	vadd.s32 v2, v4  }
0x124: {  	[hbm4b:s10+s18] =	stream.indirect_vreg.scatter [tilespmem:s0], [sflag:$0x1], $0x80, v5, vm0, $0xb8;
	[tilespmem:$0x13C00] =	vst v63  }
0x125: {  	_ = 	snop  }
0x126: {  	[hbm4b:s11+s18] =	stream.indirect_vreg.scatter [tilespmem:s4], [sflag:$0x1], $0x80, v5, vm0, $0xb8;
	[tilespmem:$0x13C00] =	vst v63  }
0x127: {  	_ = 	snop  }
0x128: {  	[hbm4b:s3+s18] =	stream.indirect_vreg.scatter [tilespmem:s5], [sflag:$0x1], $0x80, v4, vm0, $0xb8;
	[tilespmem:$0x13C00] =	vst v63  }
0x129: {  	_ = 	snop  }
0x12a: {  	[hbm4b:s9+s18] =	stream.indirect_vreg.scatter [tilespmem:s15], [sflag:$0x1], $0x80, v4, vm0, $0xb8;
	[tilespmem:$0x13C00] =	vst v63  }
0x12b: {  	_ = 	snop  }
0x12c: {  	[hbm4b:s10+s18] =	stream.indirect_vreg.scatter [tilespmem:s16], [sflag:$0x1], $0x80, v4, vm0, $0xb8;
	[tilespmem:$0x13C00] =	vst v63  }
0x12d: {  	_ = 	snop  }
0x12e: {  	[hbm4b:s11+s18] =	stream.indirect_vreg.scatter [tilespmem:s19], [sflag:$0x1], $0x80, v4, vm0, $0xb8;
	[tilespmem:$0x13C00] =	vst v63  }
0x12f: {  	v4 =	vld [tilespmem:s25+$0x0];
	_ =	sdelay $0x4  }
0x130: {  	v5 =	vshll.u32 v4, $0x3  }
0x131: {  	v4 =	vand.u32 $0x7, v4;
	v5 =	vand.u32 $0xFFFFFFC0, v5  }
0x132: {  	v4 =	vor.u32 v4, v5  }
0x133: {  	v5 =	vperm.xlane v4, v1;
	_ =	sdelay $0x1  }
0x134: {  	v5 =	vadd.s32 v2, v5;
	_ =	sdelay $0x4  }
0x135: {  	[hbm4b:s3+s18] =	stream.indirect_vreg.scatter [tilespmem:s1], [sflag:$0x1], $0x80, v5, vm0, $0xb8;
	[tilespmem:$0x13C00] =	vst v63  }
0x136: {  	v4 =	vperm.xlane v4, v3  }
0x137: {  	[hbm4b:s9+s18] =	stream.indirect_vreg.scatter [tilespmem:s2], [sflag:$0x1], $0x80, v5, vm0, $0xb8;
	[tilespmem:$0x13C00] =	vst v63  }
0x138: {  	v4 =	vadd.s32 v2, v4  }
0x139: {  	[hbm4b:s10+s18] =	stream.indirect_vreg.scatter [tilespmem:s6], [sflag:$0x1], $0x80, v5, vm0, $0xb8;
	[tilespmem:$0x13C00] =	vst v63  }
0x13a: {  	_ = 	snop  }
0x13b: {  	[hbm4b:s11+s18] =	stream.indirect_vreg.scatter [tilespmem:s7], [sflag:$0x1], $0x80, v5, vm0, $0xb8;
	[tilespmem:$0x13C00] =	vst v63  }
0x13c: {  	_ = 	snop  }
0x13d: {  	[hbm4b:s3+s18] =	stream.indirect_vreg.scatter [tilespmem:s8], [sflag:$0x1], $0x80, v4, vm0, $0xb8;
	[tilespmem:$0x13C00] =	vst v63  }
0x13e: {  	_ = 	snop  }
0x13f: {  	[hbm4b:s9+s18] =	stream.indirect_vreg.scatter [tilespmem:s31], [sflag:$0x1], $0x80, v4, vm0, $0xb8;
	[tilespmem:$0x13C00] =	vst v63  }
0x140: {  	p1 =	sne.s32 s24, $0x1  }
0x141: {  	[hbm4b:s10+s18] =	stream.indirect_vreg.scatter [tilespmem:s23], [sflag:$0x1], $0x80, v4, vm0, $0xb8;
	[tilespmem:$0x13C00] =	vst v63  }
.Ltmp9:
0x142: {  	s23 =	simm.s32 $0x1;
	(pc) =	sbr.rel @p1 .LBB2_11-.Ltmp9, $4  }
0x143: {  	[hbm4b:s11+s18] =	stream.indirect_vreg.scatter [tilespmem:s28], [sflag:$0x1], $0x80, v4, vm0, $0xb8;
	[tilespmem:$0x13C00] =	vst v63  }
0x144: {  	_ =	swait.ge [sflag:s23], $0x8000  }
0x145: {  	[sflag:s23] =	ssyncset.done $0x0  }
0x146: {  	s24 =	sadd.s32 $0xFFFFFFFF, s24;
	s25 =	sadd.s32 $0x80, s25;
	[sflag:s23] =	ssyncadd.s32 $0xFFFF8000  }
.Ltmp10:
0x147: {  	_ = 	snop;
	(pc) =	sbr.rel .LBB2_12-.Ltmp10, $1  }
0x148: {  	_ =	sdelay $0x3  }
.LBB2_13:
0x149: {  	_ =	sfence.sel $0x180000  }
0x14a: {  	[bflag:$0x0] =	sbarrier.arrive $0xFFFF  }
0x14b: {  	_ =	strace $0x90000047  }
0x14c: {  	s0 =	stileid.u32;
	[bflag:$0x2] =	sbarrier.arrive $0xFFFF  }
0x14d: {  	p0 =	sne.s32 s0, $0x0;
	s0 =	rddreg [dreg:$0x4]  }
0x14e: {  	s0 =	sadd.s32 @!p0 $0x100000, s0  }
0x14f: {  	[sflag:s0] =	ssyncadd.tile.s32 @!p0 $0x1;
	_ =	shalt  }
.Lfunc_end2:
_tile_overlayer_lowered:
.L_overlay_start_2:
0x150: {  	(tag) =	ssettag $0x2  }
0x151: {  	s0 =	rddreg [dreg:$0x0];
	s2 =	stileid.u32  }
0x152: {  	s1 =	rddreg [dreg:$0x1];
	p0 =	sne.s32 s2, $0x0  }
0x153: {  	s3 =	rddreg [dreg:$0x2];
	[bflag:$0x3] =	sbarrier.arrive $0xFFFF;
	s2 =	simm.s32 @!p0 $0x1C02  }
0x154: {  	[timem:s3], [sflag:s2] =	dma.local @!p0 [hbm:s0], s1  }
0x155: {  	s0 =	simm.s32 @!p0 $0x2  }
0x156: {  	_ =	swait.ge @!p0 [sflag:s0], s1  }
0x157: {  	s1 =	ssub.s32 @!p0 $0x0, s1;
	[sflag:s0] =	ssyncset.done @!p0 $0x0  }
0x158: {  	[sflag:s0] =	ssyncadd.s32 @!p0 s1  }
0x159: {  	[bflag:$0x3] =	sbarrier.arrive $0xFFFF  }
0x15a: {  	_ =	shalt  }

</sc_bundles>
